<compile_context>
chip_gen: v7x
topology: tpu7x:2x2x1
jax: 0.10.2.dev20260603
libtpu: 0.0.44.dev20260713+nightly
codegen_flags: <defaults>
</compile_context>

<pallas_src>
import functools
import jax
import jax.numpy as jnp
from jax import lax
from jax.experimental import pallas as pl
from jax.experimental.pallas import tpu as pltpu
from jax.experimental.pallas import tpu_sc as plsc

DIM = 64
CHUNK = 512
L = 16


def _sc_body(xt_hbm, out_hbm, vbuf, obuf):
    wid = lax.axis_index("s") * 2 + lax.axis_index("c")
    b0 = wid * CHUNK

    def s_step(s, carry):
        pltpu.sync_copy(xt_hbm.at[s, :, pl.ds(b0, CHUNK)], vbuf)

        def g_step(g, carry2):
            base = g * L
            acc = jnp.zeros((L,), jnp.float32)
            for j in range(DIM):
                e = vbuf[j, pl.ds(base, L)]
                acc = acc + e * e
            u = jnp.maximum(acc * 0.01, 1e-14)
            sq = jnp.full((L,), 1.0, jnp.float32)
            for _ in range(12):
                sq = 0.5 * (sq + u / sq)
            e2 = jnp.exp(-2.0 * sq)
            t = (1.0 - e2) / (1.0 + e2)
            f_big = 0.1 * t / sq
            f_small = 0.1 * (1.0 - u * (1.0 / 3.0) + u * u * (2.0 / 15.0))
            f = jnp.where(u < 2.5e-3, f_small, f_big)
            for j in range(DIM):
                obuf[j, pl.ds(base, L)] = vbuf[j, pl.ds(base, L)] * f
            return carry2

        lax.fori_loop(0, CHUNK // L, g_step, 0)
        pltpu.sync_copy(obuf, out_hbm.at[s, :, pl.ds(b0, CHUNK)])
        return carry

    lax.fori_loop(0, xt_hbm.shape[0], s_step, 0)


def kernel(x):
    b, s, d = x.shape
    xt = jnp.transpose(x, (1, 2, 0))
    run = functools.partial(
        pl.kernel,
        out_type=jax.ShapeDtypeStruct((s, d, b), jnp.float32),
        mesh=plsc.VectorSubcoreMesh(core_axis_name="c", subcore_axis_name="s"),
        scratch_types=[
            pltpu.VMEM((DIM, CHUNK), jnp.float32),
            pltpu.VMEM((DIM, CHUNK), jnp.float32),
        ],
    )(_sc_body)
    out_t = run(xt)
    return jnp.transpose(out_t, (2, 0, 1))

# --- scband reference (transcript-rebuilt; emitter-appended) ---
"""Pipeline reference for scband-hyperbolic-embedding-85255100825976 (READ-ONLY COPY).

The authoritative reference and input builder live on the scoring server;
editing this copy changes nothing except your own understanding.
"""

import jax, jax.numpy as jnp
import numpy as np

DIM = 64
C = 1.0
EPS = 1e-07


def setup_inputs(seed: int = 0) -> dict:
    key = jax.random.key(seed)
    x = jax.random.normal(key, (16384, 50, DIM), dtype=jnp.float32)
    return {"x": x}


def reference(x):
    # HyperbolicEmbedding.euclidean_to_hyperbolic with model='poincare':
    #   return PoincareBall(c).exp_map(x * 0.1)   (exp map at origin)
    # exp_0(v) = tanh(sqrt(c) * ||v||) / (sqrt(c) * ||v||) * v
    sqrt_c = C ** 0.5
    v = x * 0.1
    norm = jnp.sqrt(jnp.sum(v * v, axis=-1, keepdims=True))
    norm = jnp.maximum(norm, EPS)
    out = jnp.tanh(sqrt_c * norm) / (sqrt_c * norm) * v
    return out

if __name__ == "__main__":
    import jax
    _d = setup_inputs()
    print(jax.jit(kernel)(*tuple(_d.values())))

</pallas_src>

<mosaic_0001>
#map = affine_map<(d0, d1) -> (0, 0, 0)>
module attributes {stable_mosaic.version = 14 : i64} {
  func.func @_sc_body(%arg0: i32, %arg1: i32, %arg2: memref<50x64x16384xf32, #tpu.memory_space<hbm>>, %arg3: memref<50x64x16384xf32, #tpu.memory_space<hbm>>, %arg4: memref<64x512xf32, #tpu.memory_space<vmem>>, %arg5: memref<64x512xf32, #tpu.memory_space<vmem>>) attributes {dimension_semantics = [#tpu.dimension_semantics<core_parallel>, #tpu.dimension_semantics<subcore_parallel>], iteration_bounds = array<i64: 2, 16>, scalar_prefetch = 0 : i64, scratch_operands = 2 : i64, tpu.core_type = #tpu.core_type<sc_vector_subcore>, window_params = [{transform_indices = #map}, {transform_indices = #map}]} {
    %mul3A = arith.constant 2 : i32
    %mul3A_0 = arith.muli %arg1, %mul3A : i32
    %add3A = arith.addi %mul3A_0, %arg0 : i32
    %mul3A_1 = arith.constant 512 : i32
    %mul3A_2 = arith.muli %add3A, %mul3A_1 : i32
    %scan3A = arith.constant 0 : i32
    %scan3A_3 = arith.constant 0 : i32
    %scan3A_4 = arith.constant 50 : i32
    %scan3A_5 = arith.addi %scan3A_3, %scan3A_4 : i32
    %scan3A_6 = arith.constant 1 : i32
    scf.for %scan3A_8 = %scan3A_3 to %scan3A_5 step %scan3A_6  : i32 {
      "tpu.region"() ({
        %run_scoped3A = tpu.sem_alloc : memref<!tpu.dma_semaphore, #tpu.memory_space<semaphore_mem>>
        %dma_start3A = arith.constant 0 : i32
        %dma_start3A_15 = tpu.memref_slice %arg2[%scan3A_8, %dma_start3A, %mul3A_2] : memref<50x64x16384xf32, #tpu.memory_space<hbm>> -> memref<1x64x512xf32, #tpu.memory_space<hbm>>
        %dma_start3A_16 = tpu.memref_squeeze %dma_start3A_15 : memref<1x64x512xf32, #tpu.memory_space<hbm>> -> memref<64x512xf32, #tpu.memory_space<hbm>>
        %dma_start3A_17 = arith.constant 0 : i32
        %dma_start3A_18 = tpu.memref_slice %arg2[%scan3A_8, %dma_start3A_17, %mul3A_2] : memref<50x64x16384xf32, #tpu.memory_space<hbm>> -> memref<1x64x512xf32, #tpu.memory_space<hbm>>
        %dma_start3A_19 = tpu.memref_squeeze %dma_start3A_18 : memref<1x64x512xf32, #tpu.memory_space<hbm>> -> memref<64x512xf32, #tpu.memory_space<hbm>>
        tpu.enqueue_dma source(%dma_start3A_19 : memref<64x512xf32, #tpu.memory_space<hbm>>) target(%arg4 : memref<64x512xf32, #tpu.memory_space<vmem>>) target_semaphore(%run_scoped3A : memref<!tpu.dma_semaphore, #tpu.memory_space<semaphore_mem>>)
        %dma_wait3A = arith.constant 0 : i32
        %dma_wait3A_20 = tpu.memref_slice %arg2[%scan3A_8, %dma_wait3A, %mul3A_2] : memref<50x64x16384xf32, #tpu.memory_space<hbm>> -> memref<1x64x512xf32, #tpu.memory_space<hbm>>
        %dma_wait3A_21 = tpu.memref_squeeze %dma_wait3A_20 : memref<1x64x512xf32, #tpu.memory_space<hbm>> -> memref<64x512xf32, #tpu.memory_space<hbm>>
        %dma_wait3A_22 = arith.constant 0 : i32
        %dma_wait3A_23 = tpu.memref_slice %arg2[%scan3A_8, %dma_wait3A_22, %mul3A_2] : memref<50x64x16384xf32, #tpu.memory_space<hbm>> -> memref<1x64x512xf32, #tpu.memory_space<hbm>>
        %dma_wait3A_24 = tpu.memref_squeeze %dma_wait3A_23 : memref<1x64x512xf32, #tpu.memory_space<hbm>> -> memref<64x512xf32, #tpu.memory_space<hbm>>
        tpu.wait_dma2 semaphore(%run_scoped3A : memref<!tpu.dma_semaphore, #tpu.memory_space<semaphore_mem>>) src(%dma_wait3A_24 : memref<64x512xf32, #tpu.memory_space<hbm>>) dst(%arg4 : memref<64x512xf32, #tpu.memory_space<vmem>>)
        tpu.yield
      }) : () -> ()
      %scan3A_9 = arith.constant 0 : i32
      %scan3A_10 = arith.constant 0 : i32
      %scan3A_11 = arith.constant 32 : i32
      %scan3A_12 = arith.addi %scan3A_10, %scan3A_11 : i32
      %scan3A_13 = arith.constant 1 : i32
      scf.for %scan3A_15 = %scan3A_10 to %scan3A_12 step %scan3A_13  : i32 {
        %mul3A_16 = arith.constant 16 : i32
        %mul3A_17 = arith.muli %scan3A_15, %mul3A_16 : i32
        %broadcast_in_dim3A = arith.constant 0.000000e+00 : f32
        %broadcast_in_dim3A_18 = vector.broadcast %broadcast_in_dim3A : f32 to vector<16xf32>
        %get3A = arith.constant 0 : i32
        %get3A_19 = arith.index_cast %get3A : i32 to index
        %get3A_20 = arith.index_cast %mul3A_17 : i32 to index
        %get3A_21 = tpu.vector_load %arg4[%get3A_19, %get3A_20] {strides = array<i32>} : memref<64x512xf32, #tpu.memory_space<vmem>>, vector<1x16xf32>,
        %get3A_22 = vector.shape_cast %get3A_21 : vector<1x16xf32> to vector<16xf32>
        %mul3A_23 = arith.mulf %get3A_22, %get3A_22 : vector<16xf32>
        %add3A_24 = arith.addf %broadcast_in_dim3A_18, %mul3A_23 : vector<16xf32>
        %get3A_25 = arith.constant 1 : i32
        %get3A_26 = arith.index_cast %get3A_25 : i32 to index
        %get3A_27 = arith.index_cast %mul3A_17 : i32 to index
        %get3A_28 = tpu.vector_load %arg4[%get3A_26, %get3A_27] {strides = array<i32>} : memref<64x512xf32, #tpu.memory_space<vmem>>, vector<1x16xf32>,
        %get3A_29 = vector.shape_cast %get3A_28 : vector<1x16xf32> to vector<16xf32>
        %mul3A_30 = arith.mulf %get3A_29, %get3A_29 : vector<16xf32>
        %add3A_31 = arith.addf %add3A_24, %mul3A_30 : vector<16xf32>
        %get3A_32 = arith.constant 2 : i32
        %get3A_33 = arith.index_cast %get3A_32 : i32 to index
        %get3A_34 = arith.index_cast %mul3A_17 : i32 to index
        %get3A_35 = tpu.vector_load %arg4[%get3A_33, %get3A_34] {strides = array<i32>} : memref<64x512xf32, #tpu.memory_space<vmem>>, vector<1x16xf32>,
        %get3A_36 = vector.shape_cast %get3A_35 : vector<1x16xf32> to vector<16xf32>
        %mul3A_37 = arith.mulf %get3A_36, %get3A_36 : vector<16xf32>
        %add3A_38 = arith.addf %add3A_31, %mul3A_37 : vector<16xf32>
        %get3A_39 = arith.constant 3 : i32
        %get3A_40 = arith.index_cast %get3A_39 : i32 to index
        %get3A_41 = arith.index_cast %mul3A_17 : i32 to index
        %get3A_42 = tpu.vector_load %arg4[%get3A_40, %get3A_41] {strides = array<i32>} : memref<64x512xf32, #tpu.memory_space<vmem>>, vector<1x16xf32>,
        %get3A_43 = vector.shape_cast %get3A_42 : vector<1x16xf32> to vector<16xf32>
        %mul3A_44 = arith.mulf %get3A_43, %get3A_43 : vector<16xf32>
        %add3A_45 = arith.addf %add3A_38, %mul3A_44 : vector<16xf32>
        %get3A_46 = arith.constant 4 : i32
        %get3A_47 = arith.index_cast %get3A_46 : i32 to index
        %get3A_48 = arith.index_cast %mul3A_17 : i32 to index
        %get3A_49 = tpu.vector_load %arg4[%get3A_47, %get3A_48] {strides = array<i32>} : memref<64x512xf32, #tpu.memory_space<vmem>>, vector<1x16xf32>,
        %get3A_50 = vector.shape_cast %get3A_49 : vector<1x16xf32> to vector<16xf32>
        %mul3A_51 = arith.mulf %get3A_50, %get3A_50 : vector<16xf32>
        %add3A_52 = arith.addf %add3A_45, %mul3A_51 : vector<16xf32>
        %get3A_53 = arith.constant 5 : i32
        %get3A_54 = arith.index_cast %get3A_53 : i32 to index
        %get3A_55 = arith.index_cast %mul3A_17 : i32 to index
        %get3A_56 = tpu.vector_load %arg4[%get3A_54, %get3A_55] {strides = array<i32>} : memref<64x512xf32, #tpu.memory_space<vmem>>, vector<1x16xf32>,
        %get3A_57 = vector.shape_cast %get3A_56 : vector<1x16xf32> to vector<16xf32>
        %mul3A_58 = arith.mulf %get3A_57, %get3A_57 : vector<16xf32>
        %add3A_59 = arith.addf %add3A_52, %mul3A_58 : vector<16xf32>
        %get3A_60 = arith.constant 6 : i32
        %get3A_61 = arith.index_cast %get3A_60 : i32 to index
        %get3A_62 = arith.index_cast %mul3A_17 : i32 to index
        %get3A_63 = tpu.vector_load %arg4[%get3A_61, %get3A_62] {strides = array<i32>} : memref<64x512xf32, #tpu.memory_space<vmem>>, vector<1x16xf32>,
        %get3A_64 = vector.shape_cast %get3A_63 : vector<1x16xf32> to vector<16xf32>
        %mul3A_65 = arith.mulf %get3A_64, %get3A_64 : vector<16xf32>
        %add3A_66 = arith.addf %add3A_59, %mul3A_65 : vector<16xf32>
        %get3A_67 = arith.constant 7 : i32
        %get3A_68 = arith.index_cast %get3A_67 : i32 to index
        %get3A_69 = arith.index_cast %mul3A_17 : i32 to index
        %get3A_70 = tpu.vector_load %arg4[%get3A_68, %get3A_69] {strides = array<i32>} : memref<64x512xf32, #tpu.memory_space<vmem>>, vector<1x16xf32>,
        %get3A_71 = vector.shape_cast %get3A_70 : vector<1x16xf32> to vector<16xf32>
        %mul3A_72 = arith.mulf %get3A_71, %get3A_71 : vector<16xf32>
        %add3A_73 = arith.addf %add3A_66, %mul3A_72 : vector<16xf32>
        %get3A_74 = arith.constant 8 : i32
        %get3A_75 = arith.index_cast %get3A_74 : i32 to index
        %get3A_76 = arith.index_cast %mul3A_17 : i32 to index
        %get3A_77 = tpu.vector_load %arg4[%get3A_75, %get3A_76] {strides = array<i32>} : memref<64x512xf32, #tpu.memory_space<vmem>>, vector<1x16xf32>,
        %get3A_78 = vector.shape_cast %get3A_77 : vector<1x16xf32> to vector<16xf32>
        %mul3A_79 = arith.mulf %get3A_78, %get3A_78 : vector<16xf32>
        %add3A_80 = arith.addf %add3A_73, %mul3A_79 : vector<16xf32>
        %get3A_81 = arith.constant 9 : i32
        %get3A_82 = arith.index_cast %get3A_81 : i32 to index
        %get3A_83 = arith.index_cast %mul3A_17 : i32 to index
        %get3A_84 = tpu.vector_load %arg4[%get3A_82, %get3A_83] {strides = array<i32>} : memref<64x512xf32, #tpu.memory_space<vmem>>, vector<1x16xf32>,
        %get3A_85 = vector.shape_cast %get3A_84 : vector<1x16xf32> to vector<16xf32>
        %mul3A_86 = arith.mulf %get3A_85, %get3A_85 : vector<16xf32>
        %add3A_87 = arith.addf %add3A_80, %mul3A_86 : vector<16xf32>
        %get3A_88 = arith.constant 10 : i32
        %get3A_89 = arith.index_cast %get3A_88 : i32 to index
        %get3A_90 = arith.index_cast %mul3A_17 : i32 to index
        %get3A_91 = tpu.vector_load %arg4[%get3A_89, %get3A_90] {strides = array<i32>} : memref<64x512xf32, #tpu.memory_space<vmem>>, vector<1x16xf32>,
        %get3A_92 = vector.shape_cast %get3A_91 : vector<1x16xf32> to vector<16xf32>
        %mul3A_93 = arith.mulf %get3A_92, %get3A_92 : vector<16xf32>
        %add3A_94 = arith.addf %add3A_87, %mul3A_93 : vector<16xf32>
        %get3A_95 = arith.constant 11 : i32
        %get3A_96 = arith.index_cast %get3A_95 : i32 to index
        %get3A_97 = arith.index_cast %mul3A_17 : i32 to index
        %get3A_98 = tpu.vector_load %arg4[%get3A_96, %get3A_97] {strides = array<i32>} : memref<64x512xf32, #tpu.memory_space<vmem>>, vector<1x16xf32>,
        %get3A_99 = vector.shape_cast %get3A_98 : vector<1x16xf32> to vector<16xf32>
        %mul3A_100 = arith.mulf %get3A_99, %get3A_99 : vector<16xf32>
        %add3A_101 = arith.addf %add3A_94, %mul3A_100 : vector<16xf32>
        %get3A_102 = arith.constant 12 : i32
        %get3A_103 = arith.index_cast %get3A_102 : i32 to index
        %get3A_104 = arith.index_cast %mul3A_17 : i32 to index
        %get3A_105 = tpu.vector_load %arg4[%get3A_103, %get3A_104] {strides = array<i32>} : memref<64x512xf32, #tpu.memory_space<vmem>>, vector<1x16xf32>,
        %get3A_106 = vector.shape_cast %get3A_105 : vector<1x16xf32> to vector<16xf32>
        %mul3A_107 = arith.mulf %get3A_106, %get3A_106 : vector<16xf32>
        %add3A_108 = arith.addf %add3A_101, %mul3A_107 : vector<16xf32>
        %get3A_109 = arith.constant 13 : i32
        %get3A_110 = arith.index_cast %get3A_109 : i32 to index
        %get3A_111 = arith.index_cast %mul3A_17 : i32 to index
        %get3A_112 = tpu.vector_load %arg4[%get3A_110, %get3A_111] {strides = array<i32>} : memref<64x512xf32, #tpu.memory_space<vmem>>, vector<1x16xf32>,
        %get3A_113 = vector.shape_cast %get3A_112 : vector<1x16xf32> to vector<16xf32>
        %mul3A_114 = arith.mulf %get3A_113, %get3A_113 : vector<16xf32>
        %add3A_115 = arith.addf %add3A_108, %mul3A_114 : vector<16xf32>
        %get3A_116 = arith.constant 14 : i32
        %get3A_117 = arith.index_cast %get3A_116 : i32 to index
        %get3A_118 = arith.index_cast %mul3A_17 : i32 to index
        %get3A_119 = tpu.vector_load %arg4[%get3A_117, %get3A_118] {strides = array<i32>} : memref<64x512xf32, #tpu.memory_space<vmem>>, vector<1x16xf32>,
        %get3A_120 = vector.shape_cast %get3A_119 : vector<1x16xf32> to vector<16xf32>
        %mul3A_121 = arith.mulf %get3A_120, %get3A_120 : vector<16xf32>
        %add3A_122 = arith.addf %add3A_115, %mul3A_121 : vector<16xf32>
        %get3A_123 = arith.constant 15 : i32
        %get3A_124 = arith.index_cast %get3A_123 : i32 to index
        %get3A_125 = arith.index_cast %mul3A_17 : i32 to index
        %get3A_126 = tpu.vector_load %arg4[%get3A_124, %get3A_125] {strides = array<i32>} : memref<64x512xf32, #tpu.memory_space<vmem>>, vector<1x16xf32>,
        %get3A_127 = vector.shape_cast %get3A_126 : vector<1x16xf32> to vector<16xf32>
        %mul3A_128 = arith.mulf %get3A_127, %get3A_127 : vector<16xf32>
        %add3A_129 = arith.addf %add3A_122, %mul3A_128 : vector<16xf32>
        %get3A_130 = arith.constant 16 : i32
        %get3A_131 = arith.index_cast %get3A_130 : i32 to index
        %get3A_132 = arith.index_cast %mul3A_17 : i32 to index
        %get3A_133 = tpu.vector_load %arg4[%get3A_131, %get3A_132] {strides = array<i32>} : memref<64x512xf32, #tpu.memory_space<vmem>>, vector<1x16xf32>,
        %get3A_134 = vector.shape_cast %get3A_133 : vector<1x16xf32> to vector<16xf32>
        %mul3A_135 = arith.mulf %get3A_134, %get3A_134 : vector<16xf32>
        %add3A_136 = arith.addf %add3A_129, %mul3A_135 : vector<16xf32>
        %get3A_137 = arith.constant 17 : i32
        %get3A_138 = arith.index_cast %get3A_137 : i32 to index
        %get3A_139 = arith.index_cast %mul3A_17 : i32 to index
        %get3A_140 = tpu.vector_load %arg4[%get3A_138, %get3A_139] {strides = array<i32>} : memref<64x512xf32, #tpu.memory_space<vmem>>, vector<1x16xf32>,
        %get3A_141 = vector.shape_cast %get3A_140 : vector<1x16xf32> to vector<16xf32>
        %mul3A_142 = arith.mulf %get3A_141, %get3A_141 : vector<16xf32>
        %add3A_143 = arith.addf %add3A_136, %mul3A_142 : vector<16xf32>
        %get3A_144 = arith.constant 18 : i32
        %get3A_145 = arith.index_cast %get3A_144 : i32 to index
        %get3A_146 = arith.index_cast %mul3A_17 : i32 to index
        %get3A_147 = tpu.vector_load %arg4[%get3A_145, %get3A_146] {strides = array<i32>} : memref<64x512xf32, #tpu.memory_space<vmem>>, vector<1x16xf32>,
        %get3A_148 = vector.shape_cast %get3A_147 : vector<1x16xf32> to vector<16xf32>
        %mul3A_149 = arith.mulf %get3A_148, %get3A_148 : vector<16xf32>
        %add3A_150 = arith.addf %add3A_143, %mul3A_149 : vector<16xf32>
        %get3A_151 = arith.constant 19 : i32
        %get3A_152 = arith.index_cast %get3A_151 : i32 to index
        %get3A_153 = arith.index_cast %mul3A_17 : i32 to index
        %get3A_154 = tpu.vector_load %arg4[%get3A_152, %get3A_153] {strides = array<i32>} : memref<64x512xf32, #tpu.memory_space<vmem>>, vector<1x16xf32>,
        %get3A_155 = vector.shape_cast %get3A_154 : vector<1x16xf32> to vector<16xf32>
        %mul3A_156 = arith.mulf %get3A_155, %get3A_155 : vector<16xf32>
        %add3A_157 = arith.addf %add3A_150, %mul3A_156 : vector<16xf32>
        %get3A_158 = arith.constant 20 : i32
        %get3A_159 = arith.index_cast %get3A_158 : i32 to index
        %get3A_160 = arith.index_cast %mul3A_17 : i32 to index
        %get3A_161 = tpu.vector_load %arg4[%get3A_159, %get3A_160] {strides = array<i32>} : memref<64x512xf32, #tpu.memory_space<vmem>>, vector<1x16xf32>,
        %get3A_162 = vector.shape_cast %get3A_161 : vector<1x16xf32> to vector<16xf32>
        %mul3A_163 = arith.mulf %get3A_162, %get3A_162 : vector<16xf32>
        %add3A_164 = arith.addf %add3A_157, %mul3A_163 : vector<16xf32>
        %get3A_165 = arith.constant 21 : i32
        %get3A_166 = arith.index_cast %get3A_165 : i32 to index
        %get3A_167 = arith.index_cast %mul3A_17 : i32 to index
        %get3A_168 = tpu.vector_load %arg4[%get3A_166, %get3A_167] {strides = array<i32>} : memref<64x512xf32, #tpu.memory_space<vmem>>, vector<1x16xf32>,
        %get3A_169 = vector.shape_cast %get3A_168 : vector<1x16xf32> to vector<16xf32>
        %mul3A_170 = arith.mulf %get3A_169, %get3A_169 : vector<16xf32>
        %add3A_171 = arith.addf %add3A_164, %mul3A_170 : vector<16xf32>
        %get3A_172 = arith.constant 22 : i32
        %get3A_173 = arith.index_cast %get3A_172 : i32 to index
        %get3A_174 = arith.index_cast %mul3A_17 : i32 to index
        %get3A_175 = tpu.vector_load %arg4[%get3A_173, %get3A_174] {strides = array<i32>} : memref<64x512xf32, #tpu.memory_space<vmem>>, vector<1x16xf32>,
        %get3A_176 = vector.shape_cast %get3A_175 : vector<1x16xf32> to vector<16xf32>
        %mul3A_177 = arith.mulf %get3A_176, %get3A_176 : vector<16xf32>
        %add3A_178 = arith.addf %add3A_171, %mul3A_177 : vector<16xf32>
        %get3A_179 = arith.constant 23 : i32
        %get3A_180 = arith.index_cast %get3A_179 : i32 to index
        %get3A_181 = arith.index_cast %mul3A_17 : i32 to index
        %get3A_182 = tpu.vector_load %arg4[%get3A_180, %get3A_181] {strides = array<i32>} : memref<64x512xf32, #tpu.memory_space<vmem>>, vector<1x16xf32>,
        %get3A_183 = vector.shape_cast %get3A_182 : vector<1x16xf32> to vector<16xf32>
        %mul3A_184 = arith.mulf %get3A_183, %get3A_183 : vector<16xf32>
        %add3A_185 = arith.addf %add3A_178, %mul3A_184 : vector<16xf32>
        %get3A_186 = arith.constant 24 : i32
        %get3A_187 = arith.index_cast %get3A_186 : i32 to index
        %get3A_188 = arith.index_cast %mul3A_17 : i32 to index
        %get3A_189 = tpu.vector_load %arg4[%get3A_187, %get3A_188] {strides = array<i32>} : memref<64x512xf32, #tpu.memory_space<vmem>>, vector<1x16xf32>,
        %get3A_190 = vector.shape_cast %get3A_189 : vector<1x16xf32> to vector<16xf32>
        %mul3A_191 = arith.mulf %get3A_190, %get3A_190 : vector<16xf32>
        %add3A_192 = arith.addf %add3A_185, %mul3A_191 : vector<16xf32>
        %get3A_193 = arith.constant 25 : i32
        %get3A_194 = arith.index_cast %get3A_193 : i32 to index
        %get3A_195 = arith.index_cast %mul3A_17 : i32 to index
        %get3A_196 = tpu.vector_load %arg4[%get3A_194, %get3A_195] {strides = array<i32>} : memref<64x512xf32, #tpu.memory_space<vmem>>, vector<1x16xf32>,
        %get3A_197 = vector.shape_cast %get3A_196 : vector<1x16xf32> to vector<16xf32>
        %mul3A_198 = arith.mulf %get3A_197, %get3A_197 : vector<16xf32>
        %add3A_199 = arith.addf %add3A_192, %mul3A_198 : vector<16xf32>
        %get3A_200 = arith.constant 26 : i32
        %get3A_201 = arith.index_cast %get3A_200 : i32 to index
        %get3A_202 = arith.index_cast %mul3A_17 : i32 to index
        %get3A_203 = tpu.vector_load %arg4[%get3A_201, %get3A_202] {strides = array<i32>} : memref<64x512xf32, #tpu.memory_space<vmem>>, vector<1x16xf32>,
        %get3A_204 = vector.shape_cast %get3A_203 : vector<1x16xf32> to vector<16xf32>
        %mul3A_205 = arith.mulf %get3A_204, %get3A_204 : vector<16xf32>
        %add3A_206 = arith.addf %add3A_199, %mul3A_205 : vector<16xf32>
        %get3A_207 = arith.constant 27 : i32
        %get3A_208 = arith.index_cast %get3A_207 : i32 to index
        %get3A_209 = arith.index_cast %mul3A_17 : i32 to index
        %get3A_210 = tpu.vector_load %arg4[%get3A_208, %get3A_209] {strides = array<i32>} : memref<64x512xf32, #tpu.memory_space<vmem>>, vector<1x16xf32>,
        %get3A_211 = vector.shape_cast %get3A_210 : vector<1x16xf32> to vector<16xf32>
        %mul3A_212 = arith.mulf %get3A_211, %get3A_211 : vector<16xf32>
        %add3A_213 = arith.addf %add3A_206, %mul3A_212 : vector<16xf32>
        %get3A_214 = arith.constant 28 : i32
        %get3A_215 = arith.index_cast %get3A_214 : i32 to index
        %get3A_216 = arith.index_cast %mul3A_17 : i32 to index
        %get3A_217 = tpu.vector_load %arg4[%get3A_215, %get3A_216] {strides = array<i32>} : memref<64x512xf32, #tpu.memory_space<vmem>>, vector<1x16xf32>,
        %get3A_218 = vector.shape_cast %get3A_217 : vector<1x16xf32> to vector<16xf32>
        %mul3A_219 = arith.mulf %get3A_218, %get3A_218 : vector<16xf32>
        %add3A_220 = arith.addf %add3A_213, %mul3A_219 : vector<16xf32>
        %get3A_221 = arith.constant 29 : i32
        %get3A_222 = arith.index_cast %get3A_221 : i32 to index
        %get3A_223 = arith.index_cast %mul3A_17 : i32 to index
        %get3A_224 = tpu.vector_load %arg4[%get3A_222, %get3A_223] {strides = array<i32>} : memref<64x512xf32, #tpu.memory_space<vmem>>, vector<1x16xf32>,
        %get3A_225 = vector.shape_cast %get3A_224 : vector<1x16xf32> to vector<16xf32>
        %mul3A_226 = arith.mulf %get3A_225, %get3A_225 : vector<16xf32>
        %add3A_227 = arith.addf %add3A_220, %mul3A_226 : vector<16xf32>
        %get3A_228 = arith.constant 30 : i32
        %get3A_229 = arith.index_cast %get3A_228 : i32 to index
        %get3A_230 = arith.index_cast %mul3A_17 : i32 to index
        %get3A_231 = tpu.vector_load %arg4[%get3A_229, %get3A_230] {strides = array<i32>} : memref<64x512xf32, #tpu.memory_space<vmem>>, vector<1x16xf32>,
        %get3A_232 = vector.shape_cast %get3A_231 : vector<1x16xf32> to vector<16xf32>
        %mul3A_233 = arith.mulf %get3A_232, %get3A_232 : vector<16xf32>
        %add3A_234 = arith.addf %add3A_227, %mul3A_233 : vector<16xf32>
        %get3A_235 = arith.constant 31 : i32
        %get3A_236 = arith.index_cast %get3A_235 : i32 to index
        %get3A_237 = arith.index_cast %mul3A_17 : i32 to index
        %get3A_238 = tpu.vector_load %arg4[%get3A_236, %get3A_237] {strides = array<i32>} : memref<64x512xf32, #tpu.memory_space<vmem>>, vector<1x16xf32>,
        %get3A_239 = vector.shape_cast %get3A_238 : vector<1x16xf32> to vector<16xf32>
        %mul3A_240 = arith.mulf %get3A_239, %get3A_239 : vector<16xf32>
        %add3A_241 = arith.addf %add3A_234, %mul3A_240 : vector<16xf32>
        %get3A_242 = arith.constant 32 : i32
        %get3A_243 = arith.index_cast %get3A_242 : i32 to index
        %get3A_244 = arith.index_cast %mul3A_17 : i32 to index
        %get3A_245 = tpu.vector_load %arg4[%get3A_243, %get3A_244] {strides = array<i32>} : memref<64x512xf32, #tpu.memory_space<vmem>>, vector<1x16xf32>,
        %get3A_246 = vector.shape_cast %get3A_245 : vector<1x16xf32> to vector<16xf32>
        %mul3A_247 = arith.mulf %get3A_246, %get3A_246 : vector<16xf32>
        %add3A_248 = arith.addf %add3A_241, %mul3A_247 : vector<16xf32>
        %get3A_249 = arith.constant 33 : i32
        %get3A_250 = arith.index_cast %get3A_249 : i32 to index
        %get3A_251 = arith.index_cast %mul3A_17 : i32 to index
        %get3A_252 = tpu.vector_load %arg4[%get3A_250, %get3A_251] {strides = array<i32>} : memref<64x512xf32, #tpu.memory_space<vmem>>, vector<1x16xf32>,
        %get3A_253 = vector.shape_cast %get3A_252 : vector<1x16xf32> to vector<16xf32>
        %mul3A_254 = arith.mulf %get3A_253, %get3A_253 : vector<16xf32>
        %add3A_255 = arith.addf %add3A_248, %mul3A_254 : vector<16xf32>
        %get3A_256 = arith.constant 34 : i32
        %get3A_257 = arith.index_cast %get3A_256 : i32 to index
        %get3A_258 = arith.index_cast %mul3A_17 : i32 to index
        %get3A_259 = tpu.vector_load %arg4[%get3A_257, %get3A_258] {strides = array<i32>} : memref<64x512xf32, #tpu.memory_space<vmem>>, vector<1x16xf32>,
        %get3A_260 = vector.shape_cast %get3A_259 : vector<1x16xf32> to vector<16xf32>
        %mul3A_261 = arith.mulf %get3A_260, %get3A_260 : vector<16xf32>
        %add3A_262 = arith.addf %add3A_255, %mul3A_261 : vector<16xf32>
        %get3A_263 = arith.constant 35 : i32
        %get3A_264 = arith.index_cast %get3A_263 : i32 to index
        %get3A_265 = arith.index_cast %mul3A_17 : i32 to index
        %get3A_266 = tpu.vector_load %arg4[%get3A_264, %get3A_265] {strides = array<i32>} : memref<64x512xf32, #tpu.memory_space<vmem>>, vector<1x16xf32>,
        %get3A_267 = vector.shape_cast %get3A_266 : vector<1x16xf32> to vector<16xf32>
        %mul3A_268 = arith.mulf %get3A_267, %get3A_267 : vector<16xf32>
        %add3A_269 = arith.addf %add3A_262, %mul3A_268 : vector<16xf32>
        %get3A_270 = arith.constant 36 : i32
        %get3A_271 = arith.index_cast %get3A_270 : i32 to index
        %get3A_272 = arith.index_cast %mul3A_17 : i32 to index
        %get3A_273 = tpu.vector_load %arg4[%get3A_271, %get3A_272] {strides = array<i32>} : memref<64x512xf32, #tpu.memory_space<vmem>>, vector<1x16xf32>,
        %get3A_274 = vector.shape_cast %get3A_273 : vector<1x16xf32> to vector<16xf32>
        %mul3A_275 = arith.mulf %get3A_274, %get3A_274 : vector<16xf32>
        %add3A_276 = arith.addf %add3A_269, %mul3A_275 : vector<16xf32>
        %get3A_277 = arith.constant 37 : i32
        %get3A_278 = arith.index_cast %get3A_277 : i32 to index
        %get3A_279 = arith.index_cast %mul3A_17 : i32 to index
        %get3A_280 = tpu.vector_load %arg4[%get3A_278, %get3A_279] {strides = array<i32>} : memref<64x512xf32, #tpu.memory_space<vmem>>, vector<1x16xf32>,
        %get3A_281 = vector.shape_cast %get3A_280 : vector<1x16xf32> to vector<16xf32>
        %mul3A_282 = arith.mulf %get3A_281, %get3A_281 : vector<16xf32>
        %add3A_283 = arith.addf %add3A_276, %mul3A_282 : vector<16xf32>
        %get3A_284 = arith.constant 38 : i32
        %get3A_285 = arith.index_cast %get3A_284 : i32 to index
        %get3A_286 = arith.index_cast %mul3A_17 : i32 to index
        %get3A_287 = tpu.vector_load %arg4[%get3A_285, %get3A_286] {strides = array<i32>} : memref<64x512xf32, #tpu.memory_space<vmem>>, vector<1x16xf32>,
        %get3A_288 = vector.shape_cast %get3A_287 : vector<1x16xf32> to vector<16xf32>
        %mul3A_289 = arith.mulf %get3A_288, %get3A_288 : vector<16xf32>
        %add3A_290 = arith.addf %add3A_283, %mul3A_289 : vector<16xf32>
        %get3A_291 = arith.constant 39 : i32
        %get3A_292 = arith.index_cast %get3A_291 : i32 to index
        %get3A_293 = arith.index_cast %mul3A_17 : i32 to index
        %get3A_294 = tpu.vector_load %arg4[%get3A_292, %get3A_293] {strides = array<i32>} : memref<64x512xf32, #tpu.memory_space<vmem>>, vector<1x16xf32>,
        %get3A_295 = vector.shape_cast %get3A_294 : vector<1x16xf32> to vector<16xf32>
        %mul3A_296 = arith.mulf %get3A_295, %get3A_295 : vector<16xf32>
        %add3A_297 = arith.addf %add3A_290, %mul3A_296 : vector<16xf32>
        %get3A_298 = arith.constant 40 : i32
        %get3A_299 = arith.index_cast %get3A_298 : i32 to index
        %get3A_300 = arith.index_cast %mul3A_17 : i32 to index
        %get3A_301 = tpu.vector_load %arg4[%get3A_299, %get3A_300] {strides = array<i32>} : memref<64x512xf32, #tpu.memory_space<vmem>>, vector<1x16xf32>,
        %get3A_302 = vector.shape_cast %get3A_301 : vector<1x16xf32> to vector<16xf32>
        %mul3A_303 = arith.mulf %get3A_302, %get3A_302 : vector<16xf32>
        %add3A_304 = arith.addf %add3A_297, %mul3A_303 : vector<16xf32>
        %get3A_305 = arith.constant 41 : i32
        %get3A_306 = arith.index_cast %get3A_305 : i32 to index
        %get3A_307 = arith.index_cast %mul3A_17 : i32 to index
        %get3A_308 = tpu.vector_load %arg4[%get3A_306, %get3A_307] {strides = array<i32>} : memref<64x512xf32, #tpu.memory_space<vmem>>, vector<1x16xf32>,
        %get3A_309 = vector.shape_cast %get3A_308 : vector<1x16xf32> to vector<16xf32>
        %mul3A_310 = arith.mulf %get3A_309, %get3A_309 : vector<16xf32>
        %add3A_311 = arith.addf %add3A_304, %mul3A_310 : vector<16xf32>
        %get3A_312 = arith.constant 42 : i32
        %get3A_313 = arith.index_cast %get3A_312 : i32 to index
        %get3A_314 = arith.index_cast %mul3A_17 : i32 to index
        %get3A_315 = tpu.vector_load %arg4[%get3A_313, %get3A_314] {strides = array<i32>} : memref<64x512xf32, #tpu.memory_space<vmem>>, vector<1x16xf32>,
        %get3A_316 = vector.shape_cast %get3A_315 : vector<1x16xf32> to vector<16xf32>
        %mul3A_317 = arith.mulf %get3A_316, %get3A_316 : vector<16xf32>
        %add3A_318 = arith.addf %add3A_311, %mul3A_317 : vector<16xf32>
        %get3A_319 = arith.constant 43 : i32
        %get3A_320 = arith.index_cast %get3A_319 : i32 to index
        %get3A_321 = arith.index_cast %mul3A_17 : i32 to index
        %get3A_322 = tpu.vector_load %arg4[%get3A_320, %get3A_321] {strides = array<i32>} : memref<64x512xf32, #tpu.memory_space<vmem>>, vector<1x16xf32>,
        %get3A_323 = vector.shape_cast %get3A_322 : vector<1x16xf32> to vector<16xf32>
        %mul3A_324 = arith.mulf %get3A_323, %get3A_323 : vector<16xf32>
        %add3A_325 = arith.addf %add3A_318, %mul3A_324 : vector<16xf32>
        %get3A_326 = arith.constant 44 : i32
        %get3A_327 = arith.index_cast %get3A_326 : i32 to index
        %get3A_328 = arith.index_cast %mul3A_17 : i32 to index
        %get3A_329 = tpu.vector_load %arg4[%get3A_327, %get3A_328] {strides = array<i32>} : memref<64x512xf32, #tpu.memory_space<vmem>>, vector<1x16xf32>,
        %get3A_330 = vector.shape_cast %get3A_329 : vector<1x16xf32> to vector<16xf32>
        %mul3A_331 = arith.mulf %get3A_330, %get3A_330 : vector<16xf32>
        %add3A_332 = arith.addf %add3A_325, %mul3A_331 : vector<16xf32>
        %get3A_333 = arith.constant 45 : i32
        %get3A_334 = arith.index_cast %get3A_333 : i32 to index
        %get3A_335 = arith.index_cast %mul3A_17 : i32 to index
        %get3A_336 = tpu.vector_load %arg4[%get3A_334, %get3A_335] {strides = array<i32>} : memref<64x512xf32, #tpu.memory_space<vmem>>, vector<1x16xf32>,
        %get3A_337 = vector.shape_cast %get3A_336 : vector<1x16xf32> to vector<16xf32>
        %mul3A_338 = arith.mulf %get3A_337, %get3A_337 : vector<16xf32>
        %add3A_339 = arith.addf %add3A_332, %mul3A_338 : vector<16xf32>
        %get3A_340 = arith.constant 46 : i32
        %get3A_341 = arith.index_cast %get3A_340 : i32 to index
        %get3A_342 = arith.index_cast %mul3A_17 : i32 to index
        %get3A_343 = tpu.vector_load %arg4[%get3A_341, %get3A_342] {strides = array<i32>} : memref<64x512xf32, #tpu.memory_space<vmem>>, vector<1x16xf32>,
        %get3A_344 = vector.shape_cast %get3A_343 : vector<1x16xf32> to vector<16xf32>
        %mul3A_345 = arith.mulf %get3A_344, %get3A_344 : vector<16xf32>
        %add3A_346 = arith.addf %add3A_339, %mul3A_345 : vector<16xf32>
        %get3A_347 = arith.constant 47 : i32
        %get3A_348 = arith.index_cast %get3A_347 : i32 to index
        %get3A_349 = arith.index_cast %mul3A_17 : i32 to index
        %get3A_350 = tpu.vector_load %arg4[%get3A_348, %get3A_349] {strides = array<i32>} : memref<64x512xf32, #tpu.memory_space<vmem>>, vector<1x16xf32>,
        %get3A_351 = vector.shape_cast %get3A_350 : vector<1x16xf32> to vector<16xf32>
        %mul3A_352 = arith.mulf %get3A_351, %get3A_351 : vector<16xf32>
        %add3A_353 = arith.addf %add3A_346, %mul3A_352 : vector<16xf32>
        %get3A_354 = arith.constant 48 : i32
        %get3A_355 = arith.index_cast %get3A_354 : i32 to index
        %get3A_356 = arith.index_cast %mul3A_17 : i32 to index
        %get3A_357 = tpu.vector_load %arg4[%get3A_355, %get3A_356] {strides = array<i32>} : memref<64x512xf32, #tpu.memory_space<vmem>>, vector<1x16xf32>,
        %get3A_358 = vector.shape_cast %get3A_357 : vector<1x16xf32> to vector<16xf32>
        %mul3A_359 = arith.mulf %get3A_358, %get3A_358 : vector<16xf32>
        %add3A_360 = arith.addf %add3A_353, %mul3A_359 : vector<16xf32>
        %get3A_361 = arith.constant 49 : i32
        %get3A_362 = arith.index_cast %get3A_361 : i32 to index
        %get3A_363 = arith.index_cast %mul3A_17 : i32 to index
        %get3A_364 = tpu.vector_load %arg4[%get3A_362, %get3A_363] {strides = array<i32>} : memref<64x512xf32, #tpu.memory_space<vmem>>, vector<1x16xf32>,
        %get3A_365 = vector.shape_cast %get3A_364 : vector<1x16xf32> to vector<16xf32>
        %mul3A_366 = arith.mulf %get3A_365, %get3A_365 : vector<16xf32>
        %add3A_367 = arith.addf %add3A_360, %mul3A_366 : vector<16xf32>
        %get3A_368 = arith.constant 50 : i32
        %get3A_369 = arith.index_cast %get3A_368 : i32 to index
        %get3A_370 = arith.index_cast %mul3A_17 : i32 to index
        %get3A_371 = tpu.vector_load %arg4[%get3A_369, %get3A_370] {strides = array<i32>} : memref<64x512xf32, #tpu.memory_space<vmem>>, vector<1x16xf32>,
        %get3A_372 = vector.shape_cast %get3A_371 : vector<1x16xf32> to vector<16xf32>
        %mul3A_373 = arith.mulf %get3A_372, %get3A_372 : vector<16xf32>
        %add3A_374 = arith.addf %add3A_367, %mul3A_373 : vector<16xf32>
        %get3A_375 = arith.constant 51 : i32
        %get3A_376 = arith.index_cast %get3A_375 : i32 to index
        %get3A_377 = arith.index_cast %mul3A_17 : i32 to index
        %get3A_378 = tpu.vector_load %arg4[%get3A_376, %get3A_377] {strides = array<i32>} : memref<64x512xf32, #tpu.memory_space<vmem>>, vector<1x16xf32>,
        %get3A_379 = vector.shape_cast %get3A_378 : vector<1x16xf32> to vector<16xf32>
        %mul3A_380 = arith.mulf %get3A_379, %get3A_379 : vector<16xf32>
        %add3A_381 = arith.addf %add3A_374, %mul3A_380 : vector<16xf32>
        %get3A_382 = arith.constant 52 : i32
        %get3A_383 = arith.index_cast %get3A_382 : i32 to index
        %get3A_384 = arith.index_cast %mul3A_17 : i32 to index
        %get3A_385 = tpu.vector_load %arg4[%get3A_383, %get3A_384] {strides = array<i32>} : memref<64x512xf32, #tpu.memory_space<vmem>>, vector<1x16xf32>,
        %get3A_386 = vector.shape_cast %get3A_385 : vector<1x16xf32> to vector<16xf32>
        %mul3A_387 = arith.mulf %get3A_386, %get3A_386 : vector<16xf32>
        %add3A_388 = arith.addf %add3A_381, %mul3A_387 : vector<16xf32>
        %get3A_389 = arith.constant 53 : i32
        %get3A_390 = arith.index_cast %get3A_389 : i32 to index
        %get3A_391 = arith.index_cast %mul3A_17 : i32 to index
        %get3A_392 = tpu.vector_load %arg4[%get3A_390, %get3A_391] {strides = array<i32>} : memref<64x512xf32, #tpu.memory_space<vmem>>, vector<1x16xf32>,
        %get3A_393 = vector.shape_cast %get3A_392 : vector<1x16xf32> to vector<16xf32>
        %mul3A_394 = arith.mulf %get3A_393, %get3A_393 : vector<16xf32>
        %add3A_395 = arith.addf %add3A_388, %mul3A_394 : vector<16xf32>
        %get3A_396 = arith.constant 54 : i32
        %get3A_397 = arith.index_cast %get3A_396 : i32 to index
        %get3A_398 = arith.index_cast %mul3A_17 : i32 to index
        %get3A_399 = tpu.vector_load %arg4[%get3A_397, %get3A_398] {strides = array<i32>} : memref<64x512xf32, #tpu.memory_space<vmem>>, vector<1x16xf32>,
        %get3A_400 = vector.shape_cast %get3A_399 : vector<1x16xf32> to vector<16xf32>
        %mul3A_401 = arith.mulf %get3A_400, %get3A_400 : vector<16xf32>
        %add3A_402 = arith.addf %add3A_395, %mul3A_401 : vector<16xf32>
        %get3A_403 = arith.constant 55 : i32
        %get3A_404 = arith.index_cast %get3A_403 : i32 to index
        %get3A_405 = arith.index_cast %mul3A_17 : i32 to index
        %get3A_406 = tpu.vector_load %arg4[%get3A_404, %get3A_405] {strides = array<i32>} : memref<64x512xf32, #tpu.memory_space<vmem>>, vector<1x16xf32>,
        %get3A_407 = vector.shape_cast %get3A_406 : vector<1x16xf32> to vector<16xf32>
        %mul3A_408 = arith.mulf %get3A_407, %get3A_407 : vector<16xf32>
        %add3A_409 = arith.addf %add3A_402, %mul3A_408 : vector<16xf32>
        %get3A_410 = arith.constant 56 : i32
        %get3A_411 = arith.index_cast %get3A_410 : i32 to index
        %get3A_412 = arith.index_cast %mul3A_17 : i32 to index
        %get3A_413 = tpu.vector_load %arg4[%get3A_411, %get3A_412] {strides = array<i32>} : memref<64x512xf32, #tpu.memory_space<vmem>>, vector<1x16xf32>,
        %get3A_414 = vector.shape_cast %get3A_413 : vector<1x16xf32> to vector<16xf32>
        %mul3A_415 = arith.mulf %get3A_414, %get3A_414 : vector<16xf32>
        %add3A_416 = arith.addf %add3A_409, %mul3A_415 : vector<16xf32>
        %get3A_417 = arith.constant 57 : i32
        %get3A_418 = arith.index_cast %get3A_417 : i32 to index
        %get3A_419 = arith.index_cast %mul3A_17 : i32 to index
        %get3A_420 = tpu.vector_load %arg4[%get3A_418, %get3A_419] {strides = array<i32>} : memref<64x512xf32, #tpu.memory_space<vmem>>, vector<1x16xf32>,
        %get3A_421 = vector.shape_cast %get3A_420 : vector<1x16xf32> to vector<16xf32>
        %mul3A_422 = arith.mulf %get3A_421, %get3A_421 : vector<16xf32>
        %add3A_423 = arith.addf %add3A_416, %mul3A_422 : vector<16xf32>
        %get3A_424 = arith.constant 58 : i32
        %get3A_425 = arith.index_cast %get3A_424 : i32 to index
        %get3A_426 = arith.index_cast %mul3A_17 : i32 to index
        %get3A_427 = tpu.vector_load %arg4[%get3A_425, %get3A_426] {strides = array<i32>} : memref<64x512xf32, #tpu.memory_space<vmem>>, vector<1x16xf32>,
        %get3A_428 = vector.shape_cast %get3A_427 : vector<1x16xf32> to vector<16xf32>
        %mul3A_429 = arith.mulf %get3A_428, %get3A_428 : vector<16xf32>
        %add3A_430 = arith.addf %add3A_423, %mul3A_429 : vector<16xf32>
        %get3A_431 = arith.constant 59 : i32
        %get3A_432 = arith.index_cast %get3A_431 : i32 to index
        %get3A_433 = arith.index_cast %mul3A_17 : i32 to index
        %get3A_434 = tpu.vector_load %arg4[%get3A_432, %get3A_433] {strides = array<i32>} : memref<64x512xf32, #tpu.memory_space<vmem>>, vector<1x16xf32>,
        %get3A_435 = vector.shape_cast %get3A_434 : vector<1x16xf32> to vector<16xf32>
        %mul3A_436 = arith.mulf %get3A_435, %get3A_435 : vector<16xf32>
        %add3A_437 = arith.addf %add3A_430, %mul3A_436 : vector<16xf32>
        %get3A_438 = arith.constant 60 : i32
        %get3A_439 = arith.index_cast %get3A_438 : i32 to index
        %get3A_440 = arith.index_cast %mul3A_17 : i32 to index
        %get3A_441 = tpu.vector_load %arg4[%get3A_439, %get3A_440] {strides = array<i32>} : memref<64x512xf32, #tpu.memory_space<vmem>>, vector<1x16xf32>,
        %get3A_442 = vector.shape_cast %get3A_441 : vector<1x16xf32> to vector<16xf32>
        %mul3A_443 = arith.mulf %get3A_442, %get3A_442 : vector<16xf32>
        %add3A_444 = arith.addf %add3A_437, %mul3A_443 : vector<16xf32>
        %get3A_445 = arith.constant 61 : i32
        %get3A_446 = arith.index_cast %get3A_445 : i32 to index
        %get3A_447 = arith.index_cast %mul3A_17 : i32 to index
        %get3A_448 = tpu.vector_load %arg4[%get3A_446, %get3A_447] {strides = array<i32>} : memref<64x512xf32, #tpu.memory_space<vmem>>, vector<1x16xf32>,
        %get3A_449 = vector.shape_cast %get3A_448 : vector<1x16xf32> to vector<16xf32>
        %mul3A_450 = arith.mulf %get3A_449, %get3A_449 : vector<16xf32>
        %add3A_451 = arith.addf %add3A_444, %mul3A_450 : vector<16xf32>
        %get3A_452 = arith.constant 62 : i32
        %get3A_453 = arith.index_cast %get3A_452 : i32 to index
        %get3A_454 = arith.index_cast %mul3A_17 : i32 to index
        %get3A_455 = tpu.vector_load %arg4[%get3A_453, %get3A_454] {strides = array<i32>} : memref<64x512xf32, #tpu.memory_space<vmem>>, vector<1x16xf32>,
        %get3A_456 = vector.shape_cast %get3A_455 : vector<1x16xf32> to vector<16xf32>
        %mul3A_457 = arith.mulf %get3A_456, %get3A_456 : vector<16xf32>
        %add3A_458 = arith.addf %add3A_451, %mul3A_457 : vector<16xf32>
        %get3A_459 = arith.constant 63 : i32
        %get3A_460 = arith.index_cast %get3A_459 : i32 to index
        %get3A_461 = arith.index_cast %mul3A_17 : i32 to index
        %get3A_462 = tpu.vector_load %arg4[%get3A_460, %get3A_461] {strides = array<i32>} : memref<64x512xf32, #tpu.memory_space<vmem>>, vector<1x16xf32>,
        %get3A_463 = vector.shape_cast %get3A_462 : vector<1x16xf32> to vector<16xf32>
        %mul3A_464 = arith.mulf %get3A_463, %get3A_463 : vector<16xf32>
        %add3A_465 = arith.addf %add3A_458, %mul3A_464 : vector<16xf32>
        %mul3A_466 = arith.constant 0.00999999977 : f32
        %mul3A_467 = vector.broadcast %mul3A_466 : f32 to vector<16xf32>
        %mul3A_468 = arith.mulf %add3A_465, %mul3A_467 : vector<16xf32>
        %max3A = arith.constant 9.99999982E-15 : f32
        %max3A_469 = vector.broadcast %max3A : f32 to vector<16xf32>
        %max3A_470 = arith.maximumf %mul3A_468, %max3A_469 : vector<16xf32>
        %broadcast_in_dim3A_471 = arith.constant 1.000000e+00 : f32
        %broadcast_in_dim3A_472 = vector.broadcast %broadcast_in_dim3A_471 : f32 to vector<16xf32>
        %div3A = arith.divf %max3A_470, %broadcast_in_dim3A_472 : vector<16xf32>
        %add3A_473 = arith.addf %broadcast_in_dim3A_472, %div3A : vector<16xf32>
        %mul3A_474 = arith.constant 5.000000e-01 : f32
        %mul3A_475 = vector.broadcast %mul3A_474 : f32 to vector<16xf32>
        %mul3A_476 = arith.mulf %mul3A_475, %add3A_473 : vector<16xf32>
        %div3A_477 = arith.divf %max3A_470, %mul3A_476 : vector<16xf32>
        %add3A_478 = arith.addf %mul3A_476, %div3A_477 : vector<16xf32>
        %mul3A_479 = arith.constant 5.000000e-01 : f32
        %mul3A_480 = vector.broadcast %mul3A_479 : f32 to vector<16xf32>
        %mul3A_481 = arith.mulf %mul3A_480, %add3A_478 : vector<16xf32>
        %div3A_482 = arith.divf %max3A_470, %mul3A_481 : vector<16xf32>
        %add3A_483 = arith.addf %mul3A_481, %div3A_482 : vector<16xf32>
        %mul3A_484 = arith.constant 5.000000e-01 : f32
        %mul3A_485 = vector.broadcast %mul3A_484 : f32 to vector<16xf32>
        %mul3A_486 = arith.mulf %mul3A_485, %add3A_483 : vector<16xf32>
        %div3A_487 = arith.divf %max3A_470, %mul3A_486 : vector<16xf32>
        %add3A_488 = arith.addf %mul3A_486, %div3A_487 : vector<16xf32>
        %mul3A_489 = arith.constant 5.000000e-01 : f32
        %mul3A_490 = vector.broadcast %mul3A_489 : f32 to vector<16xf32>
        %mul3A_491 = arith.mulf %mul3A_490, %add3A_488 : vector<16xf32>
        %div3A_492 = arith.divf %max3A_470, %mul3A_491 : vector<16xf32>
        %add3A_493 = arith.addf %mul3A_491, %div3A_492 : vector<16xf32>
        %mul3A_494 = arith.constant 5.000000e-01 : f32
        %mul3A_495 = vector.broadcast %mul3A_494 : f32 to vector<16xf32>
        %mul3A_496 = arith.mulf %mul3A_495, %add3A_493 : vector<16xf32>
        %div3A_497 = arith.divf %max3A_470, %mul3A_496 : vector<16xf32>
        %add3A_498 = arith.addf %mul3A_496, %div3A_497 : vector<16xf32>
        %mul3A_499 = arith.constant 5.000000e-01 : f32
        %mul3A_500 = vector.broadcast %mul3A_499 : f32 to vector<16xf32>
        %mul3A_501 = arith.mulf %mul3A_500, %add3A_498 : vector<16xf32>
        %div3A_502 = arith.divf %max3A_470, %mul3A_501 : vector<16xf32>
        %add3A_503 = arith.addf %mul3A_501, %div3A_502 : vector<16xf32>
        %mul3A_504 = arith.constant 5.000000e-01 : f32
        %mul3A_505 = vector.broadcast %mul3A_504 : f32 to vector<16xf32>
        %mul3A_506 = arith.mulf %mul3A_505, %add3A_503 : vector<16xf32>
        %div3A_507 = arith.divf %max3A_470, %mul3A_506 : vector<16xf32>
        %add3A_508 = arith.addf %mul3A_506, %div3A_507 : vector<16xf32>
        %mul3A_509 = arith.constant 5.000000e-01 : f32
        %mul3A_510 = vector.broadcast %mul3A_509 : f32 to vector<16xf32>
        %mul3A_511 = arith.mulf %mul3A_510, %add3A_508 : vector<16xf32>
        %div3A_512 = arith.divf %max3A_470, %mul3A_511 : vector<16xf32>
        %add3A_513 = arith.addf %mul3A_511, %div3A_512 : vector<16xf32>
        %mul3A_514 = arith.constant 5.000000e-01 : f32
        %mul3A_515 = vector.broadcast %mul3A_514 : f32 to vector<16xf32>
        %mul3A_516 = arith.mulf %mul3A_515, %add3A_513 : vector<16xf32>
        %div3A_517 = arith.divf %max3A_470, %mul3A_516 : vector<16xf32>
        %add3A_518 = arith.addf %mul3A_516, %div3A_517 : vector<16xf32>
        %mul3A_519 = arith.constant 5.000000e-01 : f32
        %mul3A_520 = vector.broadcast %mul3A_519 : f32 to vector<16xf32>
        %mul3A_521 = arith.mulf %mul3A_520, %add3A_518 : vector<16xf32>
        %div3A_522 = arith.divf %max3A_470, %mul3A_521 : vector<16xf32>
        %add3A_523 = arith.addf %mul3A_521, %div3A_522 : vector<16xf32>
        %mul3A_524 = arith.constant 5.000000e-01 : f32
        %mul3A_525 = vector.broadcast %mul3A_524 : f32 to vector<16xf32>
        %mul3A_526 = arith.mulf %mul3A_525, %add3A_523 : vector<16xf32>
        %div3A_527 = arith.divf %max3A_470, %mul3A_526 : vector<16xf32>
        %add3A_528 = arith.addf %mul3A_526, %div3A_527 : vector<16xf32>
        %mul3A_529 = arith.constant 5.000000e-01 : f32
        %mul3A_530 = vector.broadcast %mul3A_529 : f32 to vector<16xf32>
        %mul3A_531 = arith.mulf %mul3A_530, %add3A_528 : vector<16xf32>
        %mul3A_532 = arith.constant -2.000000e+00 : f32
        %mul3A_533 = vector.broadcast %mul3A_532 : f32 to vector<16xf32>
        %mul3A_534 = arith.mulf %mul3A_533, %mul3A_531 : vector<16xf32>
        %exp3A = math.exp %mul3A_534 : vector<16xf32>
        %sub3A = arith.constant 1.000000e+00 : f32
        %sub3A_535 = vector.broadcast %sub3A : f32 to vector<16xf32>
        %sub3A_536 = arith.subf %sub3A_535, %exp3A : vector<16xf32>
        %add3A_537 = arith.constant 1.000000e+00 : f32
        %add3A_538 = vector.broadcast %add3A_537 : f32 to vector<16xf32>
        %add3A_539 = arith.addf %add3A_538, %exp3A : vector<16xf32>
        %div3A_540 = arith.divf %sub3A_536, %add3A_539 : vector<16xf32>
        %mul3A_541 = arith.constant 1.000000e-01 : f32
        %mul3A_542 = vector.broadcast %mul3A_541 : f32 to vector<16xf32>
        %mul3A_543 = arith.mulf %mul3A_542, %div3A_540 : vector<16xf32>
        %div3A_544 = arith.divf %mul3A_543, %mul3A_531 : vector<16xf32>
        %mul3A_545 = arith.constant 0.333333343 : f32
        %mul3A_546 = vector.broadcast %mul3A_545 : f32 to vector<16xf32>
        %mul3A_547 = arith.mulf %max3A_470, %mul3A_546 : vector<16xf32>
        %sub3A_548 = arith.constant 1.000000e+00 : f32
        %sub3A_549 = vector.broadcast %sub3A_548 : f32 to vector<16xf32>
        %sub3A_550 = arith.subf %sub3A_549, %mul3A_547 : vector<16xf32>
        %mul3A_551 = arith.mulf %max3A_470, %max3A_470 : vector<16xf32>
        %mul3A_552 = arith.constant 0.13333334 : f32
        %mul3A_553 = vector.broadcast %mul3A_552 : f32 to vector<16xf32>
        %mul3A_554 = arith.mulf %mul3A_551, %mul3A_553 : vector<16xf32>
        %add3A_555 = arith.addf %sub3A_550, %mul3A_554 : vector<16xf32>
        %mul3A_556 = arith.constant 1.000000e-01 : f32
        %mul3A_557 = vector.broadcast %mul3A_556 : f32 to vector<16xf32>
        %mul3A_558 = arith.mulf %mul3A_557, %add3A_555 : vector<16xf32>
        %lt3A = arith.constant 2.500000e-03 : f32
        %lt3A_559 = vector.broadcast %lt3A : f32 to vector<16xf32>
        %lt3A_560 = arith.cmpf olt, %max3A_470, %lt3A_559 : vector<16xf32>
        %select_n3A = arith.select %lt3A_560, %mul3A_558, %div3A_544 : vector<16xi1>, vector<16xf32>
        %get3A_561 = arith.constant 0 : i32
        %get3A_562 = arith.index_cast %get3A_561 : i32 to index
        %get3A_563 = arith.index_cast %mul3A_17 : i32 to index
        %get3A_564 = tpu.vector_load %arg4[%get3A_562, %get3A_563] {strides = array<i32>} : memref<64x512xf32, #tpu.memory_space<vmem>>, vector<1x16xf32>,
        %get3A_565 = vector.shape_cast %get3A_564 : vector<1x16xf32> to vector<16xf32>
        %mul3A_566 = arith.mulf %get3A_565, %select_n3A : vector<16xf32>
        %swap3A = arith.constant 0 : i32
        %swap3A_567 = arith.index_cast %swap3A : i32 to index
        %swap3A_568 = arith.index_cast %mul3A_17 : i32 to index
        %swap3A_569 = tpu.vector_load %arg5[%swap3A_567, %swap3A_568] {strides = array<i32>} : memref<64x512xf32, #tpu.memory_space<vmem>>, vector<1x16xf32>,
        %swap3A_570 = vector.shape_cast %swap3A_569 : vector<1x16xf32> to vector<16xf32>
        %swap3A_571 = vector.shape_cast %mul3A_566 : vector<16xf32> to vector<1x16xf32>
        tpu.vector_store %arg5[%swap3A_567, %swap3A_568], %swap3A_571 {strides = array<i32>} : memref<64x512xf32, #tpu.memory_space<vmem>>, vector<1x16xf32>,
        %get3A_572 = arith.constant 1 : i32
        %get3A_573 = arith.index_cast %get3A_572 : i32 to index
        %get3A_574 = arith.index_cast %mul3A_17 : i32 to index
        %get3A_575 = tpu.vector_load %arg4[%get3A_573, %get3A_574] {strides = array<i32>} : memref<64x512xf32, #tpu.memory_space<vmem>>, vector<1x16xf32>,
        %get3A_576 = vector.shape_cast %get3A_575 : vector<1x16xf32> to vector<16xf32>
        %mul3A_577 = arith.mulf %get3A_576, %select_n3A : vector<16xf32>
        %swap3A_578 = arith.constant 1 : i32
        %swap3A_579 = arith.index_cast %swap3A_578 : i32 to index
        %swap3A_580 = arith.index_cast %mul3A_17 : i32 to index
        %swap3A_581 = tpu.vector_load %arg5[%swap3A_579, %swap3A_580] {strides = array<i32>} : memref<64x512xf32, #tpu.memory_space<vmem>>, vector<1x16xf32>,
        %swap3A_582 = vector.shape_cast %swap3A_581 : vector<1x16xf32> to vector<16xf32>
        %swap3A_583 = vector.shape_cast %mul3A_577 : vector<16xf32> to vector<1x16xf32>
        tpu.vector_store %arg5[%swap3A_579, %swap3A_580], %swap3A_583 {strides = array<i32>} : memref<64x512xf32, #tpu.memory_space<vmem>>, vector<1x16xf32>,
        %get3A_584 = arith.constant 2 : i32
        %get3A_585 = arith.index_cast %get3A_584 : i32 to index
        %get3A_586 = arith.index_cast %mul3A_17 : i32 to index
        %get3A_587 = tpu.vector_load %arg4[%get3A_585, %get3A_586] {strides = array<i32>} : memref<64x512xf32, #tpu.memory_space<vmem>>, vector<1x16xf32>,
        %get3A_588 = vector.shape_cast %get3A_587 : vector<1x16xf32> to vector<16xf32>
        %mul3A_589 = arith.mulf %get3A_588, %select_n3A : vector<16xf32>
        %swap3A_590 = arith.constant 2 : i32
        %swap3A_591 = arith.index_cast %swap3A_590 : i32 to index
        %swap3A_592 = arith.index_cast %mul3A_17 : i32 to index
        %swap3A_593 = tpu.vector_load %arg5[%swap3A_591, %swap3A_592] {strides = array<i32>} : memref<64x512xf32, #tpu.memory_space<vmem>>, vector<1x16xf32>,
        %swap3A_594 = vector.shape_cast %swap3A_593 : vector<1x16xf32> to vector<16xf32>
        %swap3A_595 = vector.shape_cast %mul3A_589 : vector<16xf32> to vector<1x16xf32>
        tpu.vector_store %arg5[%swap3A_591, %swap3A_592], %swap3A_595 {strides = array<i32>} : memref<64x512xf32, #tpu.memory_space<vmem>>, vector<1x16xf32>,
        %get3A_596 = arith.constant 3 : i32
        %get3A_597 = arith.index_cast %get3A_596 : i32 to index
        %get3A_598 = arith.index_cast %mul3A_17 : i32 to index
        %get3A_599 = tpu.vector_load %arg4[%get3A_597, %get3A_598] {strides = array<i32>} : memref<64x512xf32, #tpu.memory_space<vmem>>, vector<1x16xf32>,
        %get3A_600 = vector.shape_cast %get3A_599 : vector<1x16xf32> to vector<16xf32>
        %mul3A_601 = arith.mulf %get3A_600, %select_n3A : vector<16xf32>
        %swap3A_602 = arith.constant 3 : i32
        %swap3A_603 = arith.index_cast %swap3A_602 : i32 to index
        %swap3A_604 = arith.index_cast %mul3A_17 : i32 to index
        %swap3A_605 = tpu.vector_load %arg5[%swap3A_603, %swap3A_604] {strides = array<i32>} : memref<64x512xf32, #tpu.memory_space<vmem>>, vector<1x16xf32>,
        %swap3A_606 = vector.shape_cast %swap3A_605 : vector<1x16xf32> to vector<16xf32>
        %swap3A_607 = vector.shape_cast %mul3A_601 : vector<16xf32> to vector<1x16xf32>
        tpu.vector_store %arg5[%swap3A_603, %swap3A_604], %swap3A_607 {strides = array<i32>} : memref<64x512xf32, #tpu.memory_space<vmem>>, vector<1x16xf32>,
        %get3A_608 = arith.constant 4 : i32
        %get3A_609 = arith.index_cast %get3A_608 : i32 to index
        %get3A_610 = arith.index_cast %mul3A_17 : i32 to index
        %get3A_611 = tpu.vector_load %arg4[%get3A_609, %get3A_610] {strides = array<i32>} : memref<64x512xf32, #tpu.memory_space<vmem>>, vector<1x16xf32>,
        %get3A_612 = vector.shape_cast %get3A_611 : vector<1x16xf32> to vector<16xf32>
        %mul3A_613 = arith.mulf %get3A_612, %select_n3A : vector<16xf32>
        %swap3A_614 = arith.constant 4 : i32
        %swap3A_615 = arith.index_cast %swap3A_614 : i32 to index
        %swap3A_616 = arith.index_cast %mul3A_17 : i32 to index
        %swap3A_617 = tpu.vector_load %arg5[%swap3A_615, %swap3A_616] {strides = array<i32>} : memref<64x512xf32, #tpu.memory_space<vmem>>, vector<1x16xf32>,
        %swap3A_618 = vector.shape_cast %swap3A_617 : vector<1x16xf32> to vector<16xf32>
        %swap3A_619 = vector.shape_cast %mul3A_613 : vector<16xf32> to vector<1x16xf32>
        tpu.vector_store %arg5[%swap3A_615, %swap3A_616], %swap3A_619 {strides = array<i32>} : memref<64x512xf32, #tpu.memory_space<vmem>>, vector<1x16xf32>,
        %get3A_620 = arith.constant 5 : i32
        %get3A_621 = arith.index_cast %get3A_620 : i32 to index
        %get3A_622 = arith.index_cast %mul3A_17 : i32 to index
        %get3A_623 = tpu.vector_load %arg4[%get3A_621, %get3A_622] {strides = array<i32>} : memref<64x512xf32, #tpu.memory_space<vmem>>, vector<1x16xf32>,
        %get3A_624 = vector.shape_cast %get3A_623 : vector<1x16xf32> to vector<16xf32>
        %mul3A_625 = arith.mulf %get3A_624, %select_n3A : vector<16xf32>
        %swap3A_626 = arith.constant 5 : i32
        %swap3A_627 = arith.index_cast %swap3A_626 : i32 to index
        %swap3A_628 = arith.index_cast %mul3A_17 : i32 to index
        %swap3A_629 = tpu.vector_load %arg5[%swap3A_627, %swap3A_628] {strides = array<i32>} : memref<64x512xf32, #tpu.memory_space<vmem>>, vector<1x16xf32>,
        %swap3A_630 = vector.shape_cast %swap3A_629 : vector<1x16xf32> to vector<16xf32>
        %swap3A_631 = vector.shape_cast %mul3A_625 : vector<16xf32> to vector<1x16xf32>
        tpu.vector_store %arg5[%swap3A_627, %swap3A_628], %swap3A_631 {strides = array<i32>} : memref<64x512xf32, #tpu.memory_space<vmem>>, vector<1x16xf32>,
        %get3A_632 = arith.constant 6 : i32
        %get3A_633 = arith.index_cast %get3A_632 : i32 to index
        %get3A_634 = arith.index_cast %mul3A_17 : i32 to index
        %get3A_635 = tpu.vector_load %arg4[%get3A_633, %get3A_634] {strides = array<i32>} : memref<64x512xf32, #tpu.memory_space<vmem>>, vector<1x16xf32>,
        %get3A_636 = vector.shape_cast %get3A_635 : vector<1x16xf32> to vector<16xf32>
        %mul3A_637 = arith.mulf %get3A_636, %select_n3A : vector<16xf32>
        %swap3A_638 = arith.constant 6 : i32
        %swap3A_639 = arith.index_cast %swap3A_638 : i32 to index
        %swap3A_640 = arith.index_cast %mul3A_17 : i32 to index
        %swap3A_641 = tpu.vector_load %arg5[%swap3A_639, %swap3A_640] {strides = array<i32>} : memref<64x512xf32, #tpu.memory_space<vmem>>, vector<1x16xf32>,
        %swap3A_642 = vector.shape_cast %swap3A_641 : vector<1x16xf32> to vector<16xf32>
        %swap3A_643 = vector.shape_cast %mul3A_637 : vector<16xf32> to vector<1x16xf32>
        tpu.vector_store %arg5[%swap3A_639, %swap3A_640], %swap3A_643 {strides = array<i32>} : memref<64x512xf32, #tpu.memory_space<vmem>>, vector<1x16xf32>,
        %get3A_644 = arith.constant 7 : i32
        %get3A_645 = arith.index_cast %get3A_644 : i32 to index
        %get3A_646 = arith.index_cast %mul3A_17 : i32 to index
        %get3A_647 = tpu.vector_load %arg4[%get3A_645, %get3A_646] {strides = array<i32>} : memref<64x512xf32, #tpu.memory_space<vmem>>, vector<1x16xf32>,
        %get3A_648 = vector.shape_cast %get3A_647 : vector<1x16xf32> to vector<16xf32>
        %mul3A_649 = arith.mulf %get3A_648, %select_n3A : vector<16xf32>
        %swap3A_650 = arith.constant 7 : i32
        %swap3A_651 = arith.index_cast %swap3A_650 : i32 to index
        %swap3A_652 = arith.index_cast %mul3A_17 : i32 to index
        %swap3A_653 = tpu.vector_load %arg5[%swap3A_651, %swap3A_652] {strides = array<i32>} : memref<64x512xf32, #tpu.memory_space<vmem>>, vector<1x16xf32>,
        %swap3A_654 = vector.shape_cast %swap3A_653 : vector<1x16xf32> to vector<16xf32>
        %swap3A_655 = vector.shape_cast %mul3A_649 : vector<16xf32> to vector<1x16xf32>
        tpu.vector_store %arg5[%swap3A_651, %swap3A_652], %swap3A_655 {strides = array<i32>} : memref<64x512xf32, #tpu.memory_space<vmem>>, vector<1x16xf32>,
        %get3A_656 = arith.constant 8 : i32
        %get3A_657 = arith.index_cast %get3A_656 : i32 to index
        %get3A_658 = arith.index_cast %mul3A_17 : i32 to index
        %get3A_659 = tpu.vector_load %arg4[%get3A_657, %get3A_658] {strides = array<i32>} : memref<64x512xf32, #tpu.memory_space<vmem>>, vector<1x16xf32>,
        %get3A_660 = vector.shape_cast %get3A_659 : vector<1x16xf32> to vector<16xf32>
        %mul3A_661 = arith.mulf %get3A_660, %select_n3A : vector<16xf32>
        %swap3A_662 = arith.constant 8 : i32
        %swap3A_663 = arith.index_cast %swap3A_662 : i32 to index
        %swap3A_664 = arith.index_cast %mul3A_17 : i32 to index
        %swap3A_665 = tpu.vector_load %arg5[%swap3A_663, %swap3A_664] {strides = array<i32>} : memref<64x512xf32, #tpu.memory_space<vmem>>, vector<1x16xf32>,
        %swap3A_666 = vector.shape_cast %swap3A_665 : vector<1x16xf32> to vector<16xf32>
        %swap3A_667 = vector.shape_cast %mul3A_661 : vector<16xf32> to vector<1x16xf32>
        tpu.vector_store %arg5[%swap3A_663, %swap3A_664], %swap3A_667 {strides = array<i32>} : memref<64x512xf32, #tpu.memory_space<vmem>>, vector<1x16xf32>,
        %get3A_668 = arith.constant 9 : i32
        %get3A_669 = arith.index_cast %get3A_668 : i32 to index
        %get3A_670 = arith.index_cast %mul3A_17 : i32 to index
        %get3A_671 = tpu.vector_load %arg4[%get3A_669, %get3A_670] {strides = array<i32>} : memref<64x512xf32, #tpu.memory_space<vmem>>, vector<1x16xf32>,
        %get3A_672 = vector.shape_cast %get3A_671 : vector<1x16xf32> to vector<16xf32>
        %mul3A_673 = arith.mulf %get3A_672, %select_n3A : vector<16xf32>
        %swap3A_674 = arith.constant 9 : i32
        %swap3A_675 = arith.index_cast %swap3A_674 : i32 to index
        %swap3A_676 = arith.index_cast %mul3A_17 : i32 to index
        %swap3A_677 = tpu.vector_load %arg5[%swap3A_675, %swap3A_676] {strides = array<i32>} : memref<64x512xf32, #tpu.memory_space<vmem>>, vector<1x16xf32>,
        %swap3A_678 = vector.shape_cast %swap3A_677 : vector<1x16xf32> to vector<16xf32>
        %swap3A_679 = vector.shape_cast %mul3A_673 : vector<16xf32> to vector<1x16xf32>
        tpu.vector_store %arg5[%swap3A_675, %swap3A_676], %swap3A_679 {strides = array<i32>} : memref<64x512xf32, #tpu.memory_space<vmem>>, vector<1x16xf32>,
        %get3A_680 = arith.constant 10 : i32
        %get3A_681 = arith.index_cast %get3A_680 : i32 to index
        %get3A_682 = arith.index_cast %mul3A_17 : i32 to index
        %get3A_683 = tpu.vector_load %arg4[%get3A_681, %get3A_682] {strides = array<i32>} : memref<64x512xf32, #tpu.memory_space<vmem>>, vector<1x16xf32>,
        %get3A_684 = vector.shape_cast %get3A_683 : vector<1x16xf32> to vector<16xf32>
        %mul3A_685 = arith.mulf %get3A_684, %select_n3A : vector<16xf32>
        %swap3A_686 = arith.constant 10 : i32
        %swap3A_687 = arith.index_cast %swap3A_686 : i32 to index
        %swap3A_688 = arith.index_cast %mul3A_17 : i32 to index
        %swap3A_689 = tpu.vector_load %arg5[%swap3A_687, %swap3A_688] {strides = array<i32>} : memref<64x512xf32, #tpu.memory_space<vmem>>, vector<1x16xf32>,
        %swap3A_690 = vector.shape_cast %swap3A_689 : vector<1x16xf32> to vector<16xf32>
        %swap3A_691 = vector.shape_cast %mul3A_685 : vector<16xf32> to vector<1x16xf32>
        tpu.vector_store %arg5[%swap3A_687, %swap3A_688], %swap3A_691 {strides = array<i32>} : memref<64x512xf32, #tpu.memory_space<vmem>>, vector<1x16xf32>,
        %get3A_692 = arith.constant 11 : i32
        %get3A_693 = arith.index_cast %get3A_692 : i32 to index
        %get3A_694 = arith.index_cast %mul3A_17 : i32 to index
        %get3A_695 = tpu.vector_load %arg4[%get3A_693, %get3A_694] {strides = array<i32>} : memref<64x512xf32, #tpu.memory_space<vmem>>, vector<1x16xf32>,
        %get3A_696 = vector.shape_cast %get3A_695 : vector<1x16xf32> to vector<16xf32>
        %mul3A_697 = arith.mulf %get3A_696, %select_n3A : vector<16xf32>
        %swap3A_698 = arith.constant 11 : i32
        %swap3A_699 = arith.index_cast %swap3A_698 : i32 to index
        %swap3A_700 = arith.index_cast %mul3A_17 : i32 to index
        %swap3A_701 = tpu.vector_load %arg5[%swap3A_699, %swap3A_700] {strides = array<i32>} : memref<64x512xf32, #tpu.memory_space<vmem>>, vector<1x16xf32>,
        %swap3A_702 = vector.shape_cast %swap3A_701 : vector<1x16xf32> to vector<16xf32>
        %swap3A_703 = vector.shape_cast %mul3A_697 : vector<16xf32> to vector<1x16xf32>
        tpu.vector_store %arg5[%swap3A_699, %swap3A_700], %swap3A_703 {strides = array<i32>} : memref<64x512xf32, #tpu.memory_space<vmem>>, vector<1x16xf32>,
        %get3A_704 = arith.constant 12 : i32
        %get3A_705 = arith.index_cast %get3A_704 : i32 to index
        %get3A_706 = arith.index_cast %mul3A_17 : i32 to index
        %get3A_707 = tpu.vector_load %arg4[%get3A_705, %get3A_706] {strides = array<i32>} : memref<64x512xf32, #tpu.memory_space<vmem>>, vector<1x16xf32>,
        %get3A_708 = vector.shape_cast %get3A_707 : vector<1x16xf32> to vector<16xf32>
        %mul3A_709 = arith.mulf %get3A_708, %select_n3A : vector<16xf32>
        %swap3A_710 = arith.constant 12 : i32
        %swap3A_711 = arith.index_cast %swap3A_710 : i32 to index
        %swap3A_712 = arith.index_cast %mul3A_17 : i32 to index
        %swap3A_713 = tpu.vector_load %arg5[%swap3A_711, %swap3A_712] {strides = array<i32>} : memref<64x512xf32, #tpu.memory_space<vmem>>, vector<1x16xf32>,
        %swap3A_714 = vector.shape_cast %swap3A_713 : vector<1x16xf32> to vector<16xf32>
        %swap3A_715 = vector.shape_cast %mul3A_709 : vector<16xf32> to vector<1x16xf32>
        tpu.vector_store %arg5[%swap3A_711, %swap3A_712], %swap3A_715 {strides = array<i32>} : memref<64x512xf32, #tpu.memory_space<vmem>>, vector<1x16xf32>,
        %get3A_716 = arith.constant 13 : i32
        %get3A_717 = arith.index_cast %get3A_716 : i32 to index
        %get3A_718 = arith.index_cast %mul3A_17 : i32 to index
        %get3A_719 = tpu.vector_load %arg4[%get3A_717, %get3A_718] {strides = array<i32>} : memref<64x512xf32, #tpu.memory_space<vmem>>, vector<1x16xf32>,
        %get3A_720 = vector.shape_cast %get3A_719 : vector<1x16xf32> to vector<16xf32>
        %mul3A_721 = arith.mulf %get3A_720, %select_n3A : vector<16xf32>
        %swap3A_722 = arith.constant 13 : i32
        %swap3A_723 = arith.index_cast %swap3A_722 : i32 to index
        %swap3A_724 = arith.index_cast %mul3A_17 : i32 to index
        %swap3A_725 = tpu.vector_load %arg5[%swap3A_723, %swap3A_724] {strides = array<i32>} : memref<64x512xf32, #tpu.memory_space<vmem>>, vector<1x16xf32>,
        %swap3A_726 = vector.shape_cast %swap3A_725 : vector<1x16xf32> to vector<16xf32>
        %swap3A_727 = vector.shape_cast %mul3A_721 : vector<16xf32> to vector<1x16xf32>
        tpu.vector_store %arg5[%swap3A_723, %swap3A_724], %swap3A_727 {strides = array<i32>} : memref<64x512xf32, #tpu.memory_space<vmem>>, vector<1x16xf32>,
        %get3A_728 = arith.constant 14 : i32
        %get3A_729 = arith.index_cast %get3A_728 : i32 to index
        %get3A_730 = arith.index_cast %mul3A_17 : i32 to index
        %get3A_731 = tpu.vector_load %arg4[%get3A_729, %get3A_730] {strides = array<i32>} : memref<64x512xf32, #tpu.memory_space<vmem>>, vector<1x16xf32>,
        %get3A_732 = vector.shape_cast %get3A_731 : vector<1x16xf32> to vector<16xf32>
        %mul3A_733 = arith.mulf %get3A_732, %select_n3A : vector<16xf32>
        %swap3A_734 = arith.constant 14 : i32
        %swap3A_735 = arith.index_cast %swap3A_734 : i32 to index
        %swap3A_736 = arith.index_cast %mul3A_17 : i32 to index
        %swap3A_737 = tpu.vector_load %arg5[%swap3A_735, %swap3A_736] {strides = array<i32>} : memref<64x512xf32, #tpu.memory_space<vmem>>, vector<1x16xf32>,
        %swap3A_738 = vector.shape_cast %swap3A_737 : vector<1x16xf32> to vector<16xf32>
        %swap3A_739 = vector.shape_cast %mul3A_733 : vector<16xf32> to vector<1x16xf32>
        tpu.vector_store %arg5[%swap3A_735, %swap3A_736], %swap3A_739 {strides = array<i32>} : memref<64x512xf32, #tpu.memory_space<vmem>>, vector<1x16xf32>,
        %get3A_740 = arith.constant 15 : i32
        %get3A_741 = arith.index_cast %get3A_740 : i32 to index
        %get3A_742 = arith.index_cast %mul3A_17 : i32 to index
        %get3A_743 = tpu.vector_load %arg4[%get3A_741, %get3A_742] {strides = array<i32>} : memref<64x512xf32, #tpu.memory_space<vmem>>, vector<1x16xf32>,
        %get3A_744 = vector.shape_cast %get3A_743 : vector<1x16xf32> to vector<16xf32>
        %mul3A_745 = arith.mulf %get3A_744, %select_n3A : vector<16xf32>
        %swap3A_746 = arith.constant 15 : i32
        %swap3A_747 = arith.index_cast %swap3A_746 : i32 to index
        %swap3A_748 = arith.index_cast %mul3A_17 : i32 to index
        %swap3A_749 = tpu.vector_load %arg5[%swap3A_747, %swap3A_748] {strides = array<i32>} : memref<64x512xf32, #tpu.memory_space<vmem>>, vector<1x16xf32>,
        %swap3A_750 = vector.shape_cast %swap3A_749 : vector<1x16xf32> to vector<16xf32>
        %swap3A_751 = vector.shape_cast %mul3A_745 : vector<16xf32> to vector<1x16xf32>
        tpu.vector_store %arg5[%swap3A_747, %swap3A_748], %swap3A_751 {strides = array<i32>} : memref<64x512xf32, #tpu.memory_space<vmem>>, vector<1x16xf32>,
        %get3A_752 = arith.constant 16 : i32
        %get3A_753 = arith.index_cast %get3A_752 : i32 to index
        %get3A_754 = arith.index_cast %mul3A_17 : i32 to index
        %get3A_755 = tpu.vector_load %arg4[%get3A_753, %get3A_754] {strides = array<i32>} : memref<64x512xf32, #tpu.memory_space<vmem>>, vector<1x16xf32>,
        %get3A_756 = vector.shape_cast %get3A_755 : vector<1x16xf32> to vector<16xf32>
        %mul3A_757 = arith.mulf %get3A_756, %select_n3A : vector<16xf32>
        %swap3A_758 = arith.constant 16 : i32
        %swap3A_759 = arith.index_cast %swap3A_758 : i32 to index
        %swap3A_760 = arith.index_cast %mul3A_17 : i32 to index
        %swap3A_761 = tpu.vector_load %arg5[%swap3A_759, %swap3A_760] {strides = array<i32>} : memref<64x512xf32, #tpu.memory_space<vmem>>, vector<1x16xf32>,
        %swap3A_762 = vector.shape_cast %swap3A_761 : vector<1x16xf32> to vector<16xf32>
        %swap3A_763 = vector.shape_cast %mul3A_757 : vector<16xf32> to vector<1x16xf32>
        tpu.vector_store %arg5[%swap3A_759, %swap3A_760], %swap3A_763 {strides = array<i32>} : memref<64x512xf32, #tpu.memory_space<vmem>>, vector<1x16xf32>,
        %get3A_764 = arith.constant 17 : i32
        %get3A_765 = arith.index_cast %get3A_764 : i32 to index
        %get3A_766 = arith.index_cast %mul3A_17 : i32 to index
        %get3A_767 = tpu.vector_load %arg4[%get3A_765, %get3A_766] {strides = array<i32>} : memref<64x512xf32, #tpu.memory_space<vmem>>, vector<1x16xf32>,
        %get3A_768 = vector.shape_cast %get3A_767 : vector<1x16xf32> to vector<16xf32>
        %mul3A_769 = arith.mulf %get3A_768, %select_n3A : vector<16xf32>
        %swap3A_770 = arith.constant 17 : i32
        %swap3A_771 = arith.index_cast %swap3A_770 : i32 to index
        %swap3A_772 = arith.index_cast %mul3A_17 : i32 to index
        %swap3A_773 = tpu.vector_load %arg5[%swap3A_771, %swap3A_772] {strides = array<i32>} : memref<64x512xf32, #tpu.memory_space<vmem>>, vector<1x16xf32>,
        %swap3A_774 = vector.shape_cast %swap3A_773 : vector<1x16xf32> to vector<16xf32>
        %swap3A_775 = vector.shape_cast %mul3A_769 : vector<16xf32> to vector<1x16xf32>
        tpu.vector_store %arg5[%swap3A_771, %swap3A_772], %swap3A_775 {strides = array<i32>} : memref<64x512xf32, #tpu.memory_space<vmem>>, vector<1x16xf32>,
        %get3A_776 = arith.constant 18 : i32
        %get3A_777 = arith.index_cast %get3A_776 : i32 to index
        %get3A_778 = arith.index_cast %mul3A_17 : i32 to index
        %get3A_779 = tpu.vector_load %arg4[%get3A_777, %get3A_778] {strides = array<i32>} : memref<64x512xf32, #tpu.memory_space<vmem>>, vector<1x16xf32>,
        %get3A_780 = vector.shape_cast %get3A_779 : vector<1x16xf32> to vector<16xf32>
        %mul3A_781 = arith.mulf %get3A_780, %select_n3A : vector<16xf32>
        %swap3A_782 = arith.constant 18 : i32
        %swap3A_783 = arith.index_cast %swap3A_782 : i32 to index
        %swap3A_784 = arith.index_cast %mul3A_17 : i32 to index
        %swap3A_785 = tpu.vector_load %arg5[%swap3A_783, %swap3A_784] {strides = array<i32>} : memref<64x512xf32, #tpu.memory_space<vmem>>, vector<1x16xf32>,
        %swap3A_786 = vector.shape_cast %swap3A_785 : vector<1x16xf32> to vector<16xf32>
        %swap3A_787 = vector.shape_cast %mul3A_781 : vector<16xf32> to vector<1x16xf32>
        tpu.vector_store %arg5[%swap3A_783, %swap3A_784], %swap3A_787 {strides = array<i32>} : memref<64x512xf32, #tpu.memory_space<vmem>>, vector<1x16xf32>,
        %get3A_788 = arith.constant 19 : i32
        %get3A_789 = arith.index_cast %get3A_788 : i32 to index
        %get3A_790 = arith.index_cast %mul3A_17 : i32 to index
        %get3A_791 = tpu.vector_load %arg4[%get3A_789, %get3A_790] {strides = array<i32>} : memref<64x512xf32, #tpu.memory_space<vmem>>, vector<1x16xf32>,
        %get3A_792 = vector.shape_cast %get3A_791 : vector<1x16xf32> to vector<16xf32>
        %mul3A_793 = arith.mulf %get3A_792, %select_n3A : vector<16xf32>
        %swap3A_794 = arith.constant 19 : i32
        %swap3A_795 = arith.index_cast %swap3A_794 : i32 to index
        %swap3A_796 = arith.index_cast %mul3A_17 : i32 to index
        %swap3A_797 = tpu.vector_load %arg5[%swap3A_795, %swap3A_796] {strides = array<i32>} : memref<64x512xf32, #tpu.memory_space<vmem>>, vector<1x16xf32>,
        %swap3A_798 = vector.shape_cast %swap3A_797 : vector<1x16xf32> to vector<16xf32>
        %swap3A_799 = vector.shape_cast %mul3A_793 : vector<16xf32> to vector<1x16xf32>
        tpu.vector_store %arg5[%swap3A_795, %swap3A_796], %swap3A_799 {strides = array<i32>} : memref<64x512xf32, #tpu.memory_space<vmem>>, vector<1x16xf32>,
        %get3A_800 = arith.constant 20 : i32
        %get3A_801 = arith.index_cast %get3A_800 : i32 to index
        %get3A_802 = arith.index_cast %mul3A_17 : i32 to index
        %get3A_803 = tpu.vector_load %arg4[%get3A_801, %get3A_802] {strides = array<i32>} : memref<64x512xf32, #tpu.memory_space<vmem>>, vector<1x16xf32>,
        %get3A_804 = vector.shape_cast %get3A_803 : vector<1x16xf32> to vector<16xf32>
        %mul3A_805 = arith.mulf %get3A_804, %select_n3A : vector<16xf32>
        %swap3A_806 = arith.constant 20 : i32
        %swap3A_807 = arith.index_cast %swap3A_806 : i32 to index
        %swap3A_808 = arith.index_cast %mul3A_17 : i32 to index
        %swap3A_809 = tpu.vector_load %arg5[%swap3A_807, %swap3A_808] {strides = array<i32>} : memref<64x512xf32, #tpu.memory_space<vmem>>, vector<1x16xf32>,
        %swap3A_810 = vector.shape_cast %swap3A_809 : vector<1x16xf32> to vector<16xf32>
        %swap3A_811 = vector.shape_cast %mul3A_805 : vector<16xf32> to vector<1x16xf32>
        tpu.vector_store %arg5[%swap3A_807, %swap3A_808], %swap3A_811 {strides = array<i32>} : memref<64x512xf32, #tpu.memory_space<vmem>>, vector<1x16xf32>,
        %get3A_812 = arith.constant 21 : i32
        %get3A_813 = arith.index_cast %get3A_812 : i32 to index
        %get3A_814 = arith.index_cast %mul3A_17 : i32 to index
        %get3A_815 = tpu.vector_load %arg4[%get3A_813, %get3A_814] {strides = array<i32>} : memref<64x512xf32, #tpu.memory_space<vmem>>, vector<1x16xf32>,
        %get3A_816 = vector.shape_cast %get3A_815 : vector<1x16xf32> to vector<16xf32>
        %mul3A_817 = arith.mulf %get3A_816, %select_n3A : vector<16xf32>
        %swap3A_818 = arith.constant 21 : i32
        %swap3A_819 = arith.index_cast %swap3A_818 : i32 to index
        %swap3A_820 = arith.index_cast %mul3A_17 : i32 to index
        %swap3A_821 = tpu.vector_load %arg5[%swap3A_819, %swap3A_820] {strides = array<i32>} : memref<64x512xf32, #tpu.memory_space<vmem>>, vector<1x16xf32>,
        %swap3A_822 = vector.shape_cast %swap3A_821 : vector<1x16xf32> to vector<16xf32>
        %swap3A_823 = vector.shape_cast %mul3A_817 : vector<16xf32> to vector<1x16xf32>
        tpu.vector_store %arg5[%swap3A_819, %swap3A_820], %swap3A_823 {strides = array<i32>} : memref<64x512xf32, #tpu.memory_space<vmem>>, vector<1x16xf32>,
        %get3A_824 = arith.constant 22 : i32
        %get3A_825 = arith.index_cast %get3A_824 : i32 to index
        %get3A_826 = arith.index_cast %mul3A_17 : i32 to index
        %get3A_827 = tpu.vector_load %arg4[%get3A_825, %get3A_826] {strides = array<i32>} : memref<64x512xf32, #tpu.memory_space<vmem>>, vector<1x16xf32>,
        %get3A_828 = vector.shape_cast %get3A_827 : vector<1x16xf32> to vector<16xf32>
        %mul3A_829 = arith.mulf %get3A_828, %select_n3A : vector<16xf32>
        %swap3A_830 = arith.constant 22 : i32
        %swap3A_831 = arith.index_cast %swap3A_830 : i32 to index
        %swap3A_832 = arith.index_cast %mul3A_17 : i32 to index
        %swap3A_833 = tpu.vector_load %arg5[%swap3A_831, %swap3A_832] {strides = array<i32>} : memref<64x512xf32, #tpu.memory_space<vmem>>, vector<1x16xf32>,
        %swap3A_834 = vector.shape_cast %swap3A_833 : vector<1x16xf32> to vector<16xf32>
        %swap3A_835 = vector.shape_cast %mul3A_829 : vector<16xf32> to vector<1x16xf32>
        tpu.vector_store %arg5[%swap3A_831, %swap3A_832], %swap3A_835 {strides = array<i32>} : memref<64x512xf32, #tpu.memory_space<vmem>>, vector<1x16xf32>,
        %get3A_836 = arith.constant 23 : i32
        %get3A_837 = arith.index_cast %get3A_836 : i32 to index
        %get3A_838 = arith.index_cast %mul3A_17 : i32 to index
        %get3A_839 = tpu.vector_load %arg4[%get3A_837, %get3A_838] {strides = array<i32>} : memref<64x512xf32, #tpu.memory_space<vmem>>, vector<1x16xf32>,
        %get3A_840 = vector.shape_cast %get3A_839 : vector<1x16xf32> to vector<16xf32>
        %mul3A_841 = arith.mulf %get3A_840, %select_n3A : vector<16xf32>
        %swap3A_842 = arith.constant 23 : i32
        %swap3A_843 = arith.index_cast %swap3A_842 : i32 to index
        %swap3A_844 = arith.index_cast %mul3A_17 : i32 to index
        %swap3A_845 = tpu.vector_load %arg5[%swap3A_843, %swap3A_844] {strides = array<i32>} : memref<64x512xf32, #tpu.memory_space<vmem>>, vector<1x16xf32>,
        %swap3A_846 = vector.shape_cast %swap3A_845 : vector<1x16xf32> to vector<16xf32>
        %swap3A_847 = vector.shape_cast %mul3A_841 : vector<16xf32> to vector<1x16xf32>
        tpu.vector_store %arg5[%swap3A_843, %swap3A_844], %swap3A_847 {strides = array<i32>} : memref<64x512xf32, #tpu.memory_space<vmem>>, vector<1x16xf32>,
        %get3A_848 = arith.constant 24 : i32
        %get3A_849 = arith.index_cast %get3A_848 : i32 to index
        %get3A_850 = arith.index_cast %mul3A_17 : i32 to index
        %get3A_851 = tpu.vector_load %arg4[%get3A_849, %get3A_850] {strides = array<i32>} : memref<64x512xf32, #tpu.memory_space<vmem>>, vector<1x16xf32>,
        %get3A_852 = vector.shape_cast %get3A_851 : vector<1x16xf32> to vector<16xf32>
        %mul3A_853 = arith.mulf %get3A_852, %select_n3A : vector<16xf32>
        %swap3A_854 = arith.constant 24 : i32
        %swap3A_855 = arith.index_cast %swap3A_854 : i32 to index
        %swap3A_856 = arith.index_cast %mul3A_17 : i32 to index
        %swap3A_857 = tpu.vector_load %arg5[%swap3A_855, %swap3A_856] {strides = array<i32>} : memref<64x512xf32, #tpu.memory_space<vmem>>, vector<1x16xf32>,
        %swap3A_858 = vector.shape_cast %swap3A_857 : vector<1x16xf32> to vector<16xf32>
        %swap3A_859 = vector.shape_cast %mul3A_853 : vector<16xf32> to vector<1x16xf32>
        tpu.vector_store %arg5[%swap3A_855, %swap3A_856], %swap3A_859 {strides = array<i32>} : memref<64x512xf32, #tpu.memory_space<vmem>>, vector<1x16xf32>,
        %get3A_860 = arith.constant 25 : i32
        %get3A_861 = arith.index_cast %get3A_860 : i32 to index
        %get3A_862 = arith.index_cast %mul3A_17 : i32 to index
        %get3A_863 = tpu.vector_load %arg4[%get3A_861, %get3A_862] {strides = array<i32>} : memref<64x512xf32, #tpu.memory_space<vmem>>, vector<1x16xf32>,
        %get3A_864 = vector.shape_cast %get3A_863 : vector<1x16xf32> to vector<16xf32>
        %mul3A_865 = arith.mulf %get3A_864, %select_n3A : vector<16xf32>
        %swap3A_866 = arith.constant 25 : i32
        %swap3A_867 = arith.index_cast %swap3A_866 : i32 to index
        %swap3A_868 = arith.index_cast %mul3A_17 : i32 to index
        %swap3A_869 = tpu.vector_load %arg5[%swap3A_867, %swap3A_868] {strides = array<i32>} : memref<64x512xf32, #tpu.memory_space<vmem>>, vector<1x16xf32>,
        %swap3A_870 = vector.shape_cast %swap3A_869 : vector<1x16xf32> to vector<16xf32>
        %swap3A_871 = vector.shape_cast %mul3A_865 : vector<16xf32> to vector<1x16xf32>
        tpu.vector_store %arg5[%swap3A_867, %swap3A_868], %swap3A_871 {strides = array<i32>} : memref<64x512xf32, #tpu.memory_space<vmem>>, vector<1x16xf32>,
        %get3A_872 = arith.constant 26 : i32
        %get3A_873 = arith.index_cast %get3A_872 : i32 to index
        %get3A_874 = arith.index_cast %mul3A_17 : i32 to index
        %get3A_875 = tpu.vector_load %arg4[%get3A_873, %get3A_874] {strides = array<i32>} : memref<64x512xf32, #tpu.memory_space<vmem>>, vector<1x16xf32>,
        %get3A_876 = vector.shape_cast %get3A_875 : vector<1x16xf32> to vector<16xf32>
        %mul3A_877 = arith.mulf %get3A_876, %select_n3A : vector<16xf32>
        %swap3A_878 = arith.constant 26 : i32
        %swap3A_879 = arith.index_cast %swap3A_878 : i32 to index
        %swap3A_880 = arith.index_cast %mul3A_17 : i32 to index
        %swap3A_881 = tpu.vector_load %arg5[%swap3A_879, %swap3A_880] {strides = array<i32>} : memref<64x512xf32, #tpu.memory_space<vmem>>, vector<1x16xf32>,
        %swap3A_882 = vector.shape_cast %swap3A_881 : vector<1x16xf32> to vector<16xf32>
        %swap3A_883 = vector.shape_cast %mul3A_877 : vector<16xf32> to vector<1x16xf32>
        tpu.vector_store %arg5[%swap3A_879, %swap3A_880], %swap3A_883 {strides = array<i32>} : memref<64x512xf32, #tpu.memory_space<vmem>>, vector<1x16xf32>,
        %get3A_884 = arith.constant 27 : i32
        %get3A_885 = arith.index_cast %get3A_884 : i32 to index
        %get3A_886 = arith.index_cast %mul3A_17 : i32 to index
        %get3A_887 = tpu.vector_load %arg4[%get3A_885, %get3A_886] {strides = array<i32>} : memref<64x512xf32, #tpu.memory_space<vmem>>, vector<1x16xf32>,
        %get3A_888 = vector.shape_cast %get3A_887 : vector<1x16xf32> to vector<16xf32>
        %mul3A_889 = arith.mulf %get3A_888, %select_n3A : vector<16xf32>
        %swap3A_890 = arith.constant 27 : i32
        %swap3A_891 = arith.index_cast %swap3A_890 : i32 to index
        %swap3A_892 = arith.index_cast %mul3A_17 : i32 to index
        %swap3A_893 = tpu.vector_load %arg5[%swap3A_891, %swap3A_892] {strides = array<i32>} : memref<64x512xf32, #tpu.memory_space<vmem>>, vector<1x16xf32>,
        %swap3A_894 = vector.shape_cast %swap3A_893 : vector<1x16xf32> to vector<16xf32>
        %swap3A_895 = vector.shape_cast %mul3A_889 : vector<16xf32> to vector<1x16xf32>
        tpu.vector_store %arg5[%swap3A_891, %swap3A_892], %swap3A_895 {strides = array<i32>} : memref<64x512xf32, #tpu.memory_space<vmem>>, vector<1x16xf32>,
        %get3A_896 = arith.constant 28 : i32
        %get3A_897 = arith.index_cast %get3A_896 : i32 to index
        %get3A_898 = arith.index_cast %mul3A_17 : i32 to index
        %get3A_899 = tpu.vector_load %arg4[%get3A_897, %get3A_898] {strides = array<i32>} : memref<64x512xf32, #tpu.memory_space<vmem>>, vector<1x16xf32>,
        %get3A_900 = vector.shape_cast %get3A_899 : vector<1x16xf32> to vector<16xf32>
        %mul3A_901 = arith.mulf %get3A_900, %select_n3A : vector<16xf32>
        %swap3A_902 = arith.constant 28 : i32
        %swap3A_903 = arith.index_cast %swap3A_902 : i32 to index
        %swap3A_904 = arith.index_cast %mul3A_17 : i32 to index
        %swap3A_905 = tpu.vector_load %arg5[%swap3A_903, %swap3A_904] {strides = array<i32>} : memref<64x512xf32, #tpu.memory_space<vmem>>, vector<1x16xf32>,
        %swap3A_906 = vector.shape_cast %swap3A_905 : vector<1x16xf32> to vector<16xf32>
        %swap3A_907 = vector.shape_cast %mul3A_901 : vector<16xf32> to vector<1x16xf32>
        tpu.vector_store %arg5[%swap3A_903, %swap3A_904], %swap3A_907 {strides = array<i32>} : memref<64x512xf32, #tpu.memory_space<vmem>>, vector<1x16xf32>,
        %get3A_908 = arith.constant 29 : i32
        %get3A_909 = arith.index_cast %get3A_908 : i32 to index
        %get3A_910 = arith.index_cast %mul3A_17 : i32 to index
        %get3A_911 = tpu.vector_load %arg4[%get3A_909, %get3A_910] {strides = array<i32>} : memref<64x512xf32, #tpu.memory_space<vmem>>, vector<1x16xf32>,
        %get3A_912 = vector.shape_cast %get3A_911 : vector<1x16xf32> to vector<16xf32>
        %mul3A_913 = arith.mulf %get3A_912, %select_n3A : vector<16xf32>
        %swap3A_914 = arith.constant 29 : i32
        %swap3A_915 = arith.index_cast %swap3A_914 : i32 to index
        %swap3A_916 = arith.index_cast %mul3A_17 : i32 to index
        %swap3A_917 = tpu.vector_load %arg5[%swap3A_915, %swap3A_916] {strides = array<i32>} : memref<64x512xf32, #tpu.memory_space<vmem>>, vector<1x16xf32>,
        %swap3A_918 = vector.shape_cast %swap3A_917 : vector<1x16xf32> to vector<16xf32>
        %swap3A_919 = vector.shape_cast %mul3A_913 : vector<16xf32> to vector<1x16xf32>
        tpu.vector_store %arg5[%swap3A_915, %swap3A_916], %swap3A_919 {strides = array<i32>} : memref<64x512xf32, #tpu.memory_space<vmem>>, vector<1x16xf32>,
        %get3A_920 = arith.constant 30 : i32
        %get3A_921 = arith.index_cast %get3A_920 : i32 to index
        %get3A_922 = arith.index_cast %mul3A_17 : i32 to index
        %get3A_923 = tpu.vector_load %arg4[%get3A_921, %get3A_922] {strides = array<i32>} : memref<64x512xf32, #tpu.memory_space<vmem>>, vector<1x16xf32>,
        %get3A_924 = vector.shape_cast %get3A_923 : vector<1x16xf32> to vector<16xf32>
        %mul3A_925 = arith.mulf %get3A_924, %select_n3A : vector<16xf32>
        %swap3A_926 = arith.constant 30 : i32
        %swap3A_927 = arith.index_cast %swap3A_926 : i32 to index
        %swap3A_928 = arith.index_cast %mul3A_17 : i32 to index
        %swap3A_929 = tpu.vector_load %arg5[%swap3A_927, %swap3A_928] {strides = array<i32>} : memref<64x512xf32, #tpu.memory_space<vmem>>, vector<1x16xf32>,
        %swap3A_930 = vector.shape_cast %swap3A_929 : vector<1x16xf32> to vector<16xf32>
        %swap3A_931 = vector.shape_cast %mul3A_925 : vector<16xf32> to vector<1x16xf32>
        tpu.vector_store %arg5[%swap3A_927, %swap3A_928], %swap3A_931 {strides = array<i32>} : memref<64x512xf32, #tpu.memory_space<vmem>>, vector<1x16xf32>,
        %get3A_932 = arith.constant 31 : i32
        %get3A_933 = arith.index_cast %get3A_932 : i32 to index
        %get3A_934 = arith.index_cast %mul3A_17 : i32 to index
        %get3A_935 = tpu.vector_load %arg4[%get3A_933, %get3A_934] {strides = array<i32>} : memref<64x512xf32, #tpu.memory_space<vmem>>, vector<1x16xf32>,
        %get3A_936 = vector.shape_cast %get3A_935 : vector<1x16xf32> to vector<16xf32>
        %mul3A_937 = arith.mulf %get3A_936, %select_n3A : vector<16xf32>
        %swap3A_938 = arith.constant 31 : i32
        %swap3A_939 = arith.index_cast %swap3A_938 : i32 to index
        %swap3A_940 = arith.index_cast %mul3A_17 : i32 to index
        %swap3A_941 = tpu.vector_load %arg5[%swap3A_939, %swap3A_940] {strides = array<i32>} : memref<64x512xf32, #tpu.memory_space<vmem>>, vector<1x16xf32>,
        %swap3A_942 = vector.shape_cast %swap3A_941 : vector<1x16xf32> to vector<16xf32>
        %swap3A_943 = vector.shape_cast %mul3A_937 : vector<16xf32> to vector<1x16xf32>
        tpu.vector_store %arg5[%swap3A_939, %swap3A_940], %swap3A_943 {strides = array<i32>} : memref<64x512xf32, #tpu.memory_space<vmem>>, vector<1x16xf32>,
        %get3A_944 = arith.constant 32 : i32
        %get3A_945 = arith.index_cast %get3A_944 : i32 to index
        %get3A_946 = arith.index_cast %mul3A_17 : i32 to index
        %get3A_947 = tpu.vector_load %arg4[%get3A_945, %get3A_946] {strides = array<i32>} : memref<64x512xf32, #tpu.memory_space<vmem>>, vector<1x16xf32>,
        %get3A_948 = vector.shape_cast %get3A_947 : vector<1x16xf32> to vector<16xf32>
        %mul3A_949 = arith.mulf %get3A_948, %select_n3A : vector<16xf32>
        %swap3A_950 = arith.constant 32 : i32
        %swap3A_951 = arith.index_cast %swap3A_950 : i32 to index
        %swap3A_952 = arith.index_cast %mul3A_17 : i32 to index
        %swap3A_953 = tpu.vector_load %arg5[%swap3A_951, %swap3A_952] {strides = array<i32>} : memref<64x512xf32, #tpu.memory_space<vmem>>, vector<1x16xf32>,
        %swap3A_954 = vector.shape_cast %swap3A_953 : vector<1x16xf32> to vector<16xf32>
        %swap3A_955 = vector.shape_cast %mul3A_949 : vector<16xf32> to vector<1x16xf32>
        tpu.vector_store %arg5[%swap3A_951, %swap3A_952], %swap3A_955 {strides = array<i32>} : memref<64x512xf32, #tpu.memory_space<vmem>>, vector<1x16xf32>,
        %get3A_956 = arith.constant 33 : i32
        %get3A_957 = arith.index_cast %get3A_956 : i32 to index
        %get3A_958 = arith.index_cast %mul3A_17 : i32 to index
        %get3A_959 = tpu.vector_load %arg4[%get3A_957, %get3A_958] {strides = array<i32>} : memref<64x512xf32, #tpu.memory_space<vmem>>, vector<1x16xf32>,
        %get3A_960 = vector.shape_cast %get3A_959 : vector<1x16xf32> to vector<16xf32>
        %mul3A_961 = arith.mulf %get3A_960, %select_n3A : vector<16xf32>
        %swap3A_962 = arith.constant 33 : i32
        %swap3A_963 = arith.index_cast %swap3A_962 : i32 to index
        %swap3A_964 = arith.index_cast %mul3A_17 : i32 to index
        %swap3A_965 = tpu.vector_load %arg5[%swap3A_963, %swap3A_964] {strides = array<i32>} : memref<64x512xf32, #tpu.memory_space<vmem>>, vector<1x16xf32>,
        %swap3A_966 = vector.shape_cast %swap3A_965 : vector<1x16xf32> to vector<16xf32>
        %swap3A_967 = vector.shape_cast %mul3A_961 : vector<16xf32> to vector<1x16xf32>
        tpu.vector_store %arg5[%swap3A_963, %swap3A_964], %swap3A_967 {strides = array<i32>} : memref<64x512xf32, #tpu.memory_space<vmem>>, vector<1x16xf32>,
        %get3A_968 = arith.constant 34 : i32
        %get3A_969 = arith.index_cast %get3A_968 : i32 to index
        %get3A_970 = arith.index_cast %mul3A_17 : i32 to index
        %get3A_971 = tpu.vector_load %arg4[%get3A_969, %get3A_970] {strides = array<i32>} : memref<64x512xf32, #tpu.memory_space<vmem>>, vector<1x16xf32>,
        %get3A_972 = vector.shape_cast %get3A_971 : vector<1x16xf32> to vector<16xf32>
        %mul3A_973 = arith.mulf %get3A_972, %select_n3A : vector<16xf32>
        %swap3A_974 = arith.constant 34 : i32
        %swap3A_975 = arith.index_cast %swap3A_974 : i32 to index
        %swap3A_976 = arith.index_cast %mul3A_17 : i32 to index
        %swap3A_977 = tpu.vector_load %arg5[%swap3A_975, %swap3A_976] {strides = array<i32>} : memref<64x512xf32, #tpu.memory_space<vmem>>, vector<1x16xf32>,
        %swap3A_978 = vector.shape_cast %swap3A_977 : vector<1x16xf32> to vector<16xf32>
        %swap3A_979 = vector.shape_cast %mul3A_973 : vector<16xf32> to vector<1x16xf32>
        tpu.vector_store %arg5[%swap3A_975, %swap3A_976], %swap3A_979 {strides = array<i32>} : memref<64x512xf32, #tpu.memory_space<vmem>>, vector<1x16xf32>,
        %get3A_980 = arith.constant 35 : i32
        %get3A_981 = arith.index_cast %get3A_980 : i32 to index
        %get3A_982 = arith.index_cast %mul3A_17 : i32 to index
        %get3A_983 = tpu.vector_load %arg4[%get3A_981, %get3A_982] {strides = array<i32>} : memref<64x512xf32, #tpu.memory_space<vmem>>, vector<1x16xf32>,
        %get3A_984 = vector.shape_cast %get3A_983 : vector<1x16xf32> to vector<16xf32>
        %mul3A_985 = arith.mulf %get3A_984, %select_n3A : vector<16xf32>
        %swap3A_986 = arith.constant 35 : i32
        %swap3A_987 = arith.index_cast %swap3A_986 : i32 to index
        %swap3A_988 = arith.index_cast %mul3A_17 : i32 to index
        %swap3A_989 = tpu.vector_load %arg5[%swap3A_987, %swap3A_988] {strides = array<i32>} : memref<64x512xf32, #tpu.memory_space<vmem>>, vector<1x16xf32>,
        %swap3A_990 = vector.shape_cast %swap3A_989 : vector<1x16xf32> to vector<16xf32>
        %swap3A_991 = vector.shape_cast %mul3A_985 : vector<16xf32> to vector<1x16xf32>
        tpu.vector_store %arg5[%swap3A_987, %swap3A_988], %swap3A_991 {strides = array<i32>} : memref<64x512xf32, #tpu.memory_space<vmem>>, vector<1x16xf32>,
        %get3A_992 = arith.constant 36 : i32
        %get3A_993 = arith.index_cast %get3A_992 : i32 to index
        %get3A_994 = arith.index_cast %mul3A_17 : i32 to index
        %get3A_995 = tpu.vector_load %arg4[%get3A_993, %get3A_994] {strides = array<i32>} : memref<64x512xf32, #tpu.memory_space<vmem>>, vector<1x16xf32>,
        %get3A_996 = vector.shape_cast %get3A_995 : vector<1x16xf32> to vector<16xf32>
        %mul3A_997 = arith.mulf %get3A_996, %select_n3A : vector<16xf32>
        %swap3A_998 = arith.constant 36 : i32
        %swap3A_999 = arith.index_cast %swap3A_998 : i32 to index
        %swap3A_1000 = arith.index_cast %mul3A_17 : i32 to index
        %swap3A_1001 = tpu.vector_load %arg5[%swap3A_999, %swap3A_1000] {strides = array<i32>} : memref<64x512xf32, #tpu.memory_space<vmem>>, vector<1x16xf32>,
        %swap3A_1002 = vector.shape_cast %swap3A_1001 : vector<1x16xf32> to vector<16xf32>
        %swap3A_1003 = vector.shape_cast %mul3A_997 : vector<16xf32> to vector<1x16xf32>
        tpu.vector_store %arg5[%swap3A_999, %swap3A_1000], %swap3A_1003 {strides = array<i32>} : memref<64x512xf32, #tpu.memory_space<vmem>>, vector<1x16xf32>,
        %get3A_1004 = arith.constant 37 : i32
        %get3A_1005 = arith.index_cast %get3A_1004 : i32 to index
        %get3A_1006 = arith.index_cast %mul3A_17 : i32 to index
        %get3A_1007 = tpu.vector_load %arg4[%get3A_1005, %get3A_1006] {strides = array<i32>} : memref<64x512xf32, #tpu.memory_space<vmem>>, vector<1x16xf32>,
        %get3A_1008 = vector.shape_cast %get3A_1007 : vector<1x16xf32> to vector<16xf32>
        %mul3A_1009 = arith.mulf %get3A_1008, %select_n3A : vector<16xf32>
        %swap3A_1010 = arith.constant 37 : i32
        %swap3A_1011 = arith.index_cast %swap3A_1010 : i32 to index
        %swap3A_1012 = arith.index_cast %mul3A_17 : i32 to index
        %swap3A_1013 = tpu.vector_load %arg5[%swap3A_1011, %swap3A_1012] {strides = array<i32>} : memref<64x512xf32, #tpu.memory_space<vmem>>, vector<1x16xf32>,
        %swap3A_1014 = vector.shape_cast %swap3A_1013 : vector<1x16xf32> to vector<16xf32>
        %swap3A_1015 = vector.shape_cast %mul3A_1009 : vector<16xf32> to vector<1x16xf32>
        tpu.vector_store %arg5[%swap3A_1011, %swap3A_1012], %swap3A_1015 {strides = array<i32>} : memref<64x512xf32, #tpu.memory_space<vmem>>, vector<1x16xf32>,
        %get3A_1016 = arith.constant 38 : i32
        %get3A_1017 = arith.index_cast %get3A_1016 : i32 to index
        %get3A_1018 = arith.index_cast %mul3A_17 : i32 to index
        %get3A_1019 = tpu.vector_load %arg4[%get3A_1017, %get3A_1018] {strides = array<i32>} : memref<64x512xf32, #tpu.memory_space<vmem>>, vector<1x16xf32>,
        %get3A_1020 = vector.shape_cast %get3A_1019 : vector<1x16xf32> to vector<16xf32>
        %mul3A_1021 = arith.mulf %get3A_1020, %select_n3A : vector<16xf32>
        %swap3A_1022 = arith.constant 38 : i32
        %swap3A_1023 = arith.index_cast %swap3A_1022 : i32 to index
        %swap3A_1024 = arith.index_cast %mul3A_17 : i32 to index
        %swap3A_1025 = tpu.vector_load %arg5[%swap3A_1023, %swap3A_1024] {strides = array<i32>} : memref<64x512xf32, #tpu.memory_space<vmem>>, vector<1x16xf32>,
        %swap3A_1026 = vector.shape_cast %swap3A_1025 : vector<1x16xf32> to vector<16xf32>
        %swap3A_1027 = vector.shape_cast %mul3A_1021 : vector<16xf32> to vector<1x16xf32>
        tpu.vector_store %arg5[%swap3A_1023, %swap3A_1024], %swap3A_1027 {strides = array<i32>} : memref<64x512xf32, #tpu.memory_space<vmem>>, vector<1x16xf32>,
        %get3A_1028 = arith.constant 39 : i32
        %get3A_1029 = arith.index_cast %get3A_1028 : i32 to index
        %get3A_1030 = arith.index_cast %mul3A_17 : i32 to index
        %get3A_1031 = tpu.vector_load %arg4[%get3A_1029, %get3A_1030] {strides = array<i32>} : memref<64x512xf32, #tpu.memory_space<vmem>>, vector<1x16xf32>,
        %get3A_1032 = vector.shape_cast %get3A_1031 : vector<1x16xf32> to vector<16xf32>
        %mul3A_1033 = arith.mulf %get3A_1032, %select_n3A : vector<16xf32>
        %swap3A_1034 = arith.constant 39 : i32
        %swap3A_1035 = arith.index_cast %swap3A_1034 : i32 to index
        %swap3A_1036 = arith.index_cast %mul3A_17 : i32 to index
        %swap3A_1037 = tpu.vector_load %arg5[%swap3A_1035, %swap3A_1036] {strides = array<i32>} : memref<64x512xf32, #tpu.memory_space<vmem>>, vector<1x16xf32>,
        %swap3A_1038 = vector.shape_cast %swap3A_1037 : vector<1x16xf32> to vector<16xf32>
        %swap3A_1039 = vector.shape_cast %mul3A_1033 : vector<16xf32> to vector<1x16xf32>
        tpu.vector_store %arg5[%swap3A_1035, %swap3A_1036], %swap3A_1039 {strides = array<i32>} : memref<64x512xf32, #tpu.memory_space<vmem>>, vector<1x16xf32>,
        %get3A_1040 = arith.constant 40 : i32
        %get3A_1041 = arith.index_cast %get3A_1040 : i32 to index
        %get3A_1042 = arith.index_cast %mul3A_17 : i32 to index
        %get3A_1043 = tpu.vector_load %arg4[%get3A_1041, %get3A_1042] {strides = array<i32>} : memref<64x512xf32, #tpu.memory_space<vmem>>, vector<1x16xf32>,
        %get3A_1044 = vector.shape_cast %get3A_1043 : vector<1x16xf32> to vector<16xf32>
        %mul3A_1045 = arith.mulf %get3A_1044, %select_n3A : vector<16xf32>
        %swap3A_1046 = arith.constant 40 : i32
        %swap3A_1047 = arith.index_cast %swap3A_1046 : i32 to index
        %swap3A_1048 = arith.index_cast %mul3A_17 : i32 to index
        %swap3A_1049 = tpu.vector_load %arg5[%swap3A_1047, %swap3A_1048] {strides = array<i32>} : memref<64x512xf32, #tpu.memory_space<vmem>>, vector<1x16xf32>,
        %swap3A_1050 = vector.shape_cast %swap3A_1049 : vector<1x16xf32> to vector<16xf32>
        %swap3A_1051 = vector.shape_cast %mul3A_1045 : vector<16xf32> to vector<1x16xf32>
        tpu.vector_store %arg5[%swap3A_1047, %swap3A_1048], %swap3A_1051 {strides = array<i32>} : memref<64x512xf32, #tpu.memory_space<vmem>>, vector<1x16xf32>,
        %get3A_1052 = arith.constant 41 : i32
        %get3A_1053 = arith.index_cast %get3A_1052 : i32 to index
        %get3A_1054 = arith.index_cast %mul3A_17 : i32 to index
        %get3A_1055 = tpu.vector_load %arg4[%get3A_1053, %get3A_1054] {strides = array<i32>} : memref<64x512xf32, #tpu.memory_space<vmem>>, vector<1x16xf32>,
        %get3A_1056 = vector.shape_cast %get3A_1055 : vector<1x16xf32> to vector<16xf32>
        %mul3A_1057 = arith.mulf %get3A_1056, %select_n3A : vector<16xf32>
        %swap3A_1058 = arith.constant 41 : i32
        %swap3A_1059 = arith.index_cast %swap3A_1058 : i32 to index
        %swap3A_1060 = arith.index_cast %mul3A_17 : i32 to index
        %swap3A_1061 = tpu.vector_load %arg5[%swap3A_1059, %swap3A_1060] {strides = array<i32>} : memref<64x512xf32, #tpu.memory_space<vmem>>, vector<1x16xf32>,
        %swap3A_1062 = vector.shape_cast %swap3A_1061 : vector<1x16xf32> to vector<16xf32>
        %swap3A_1063 = vector.shape_cast %mul3A_1057 : vector<16xf32> to vector<1x16xf32>
        tpu.vector_store %arg5[%swap3A_1059, %swap3A_1060], %swap3A_1063 {strides = array<i32>} : memref<64x512xf32, #tpu.memory_space<vmem>>, vector<1x16xf32>,
        %get3A_1064 = arith.constant 42 : i32
        %get3A_1065 = arith.index_cast %get3A_1064 : i32 to index
        %get3A_1066 = arith.index_cast %mul3A_17 : i32 to index
        %get3A_1067 = tpu.vector_load %arg4[%get3A_1065, %get3A_1066] {strides = array<i32>} : memref<64x512xf32, #tpu.memory_space<vmem>>, vector<1x16xf32>,
        %get3A_1068 = vector.shape_cast %get3A_1067 : vector<1x16xf32> to vector<16xf32>
        %mul3A_1069 = arith.mulf %get3A_1068, %select_n3A : vector<16xf32>
        %swap3A_1070 = arith.constant 42 : i32
        %swap3A_1071 = arith.index_cast %swap3A_1070 : i32 to index
        %swap3A_1072 = arith.index_cast %mul3A_17 : i32 to index
        %swap3A_1073 = tpu.vector_load %arg5[%swap3A_1071, %swap3A_1072] {strides = array<i32>} : memref<64x512xf32, #tpu.memory_space<vmem>>, vector<1x16xf32>,
        %swap3A_1074 = vector.shape_cast %swap3A_1073 : vector<1x16xf32> to vector<16xf32>
        %swap3A_1075 = vector.shape_cast %mul3A_1069 : vector<16xf32> to vector<1x16xf32>
        tpu.vector_store %arg5[%swap3A_1071, %swap3A_1072], %swap3A_1075 {strides = array<i32>} : memref<64x512xf32, #tpu.memory_space<vmem>>, vector<1x16xf32>,
        %get3A_1076 = arith.constant 43 : i32
        %get3A_1077 = arith.index_cast %get3A_1076 : i32 to index
        %get3A_1078 = arith.index_cast %mul3A_17 : i32 to index
        %get3A_1079 = tpu.vector_load %arg4[%get3A_1077, %get3A_1078] {strides = array<i32>} : memref<64x512xf32, #tpu.memory_space<vmem>>, vector<1x16xf32>,
        %get3A_1080 = vector.shape_cast %get3A_1079 : vector<1x16xf32> to vector<16xf32>
        %mul3A_1081 = arith.mulf %get3A_1080, %select_n3A : vector<16xf32>
        %swap3A_1082 = arith.constant 43 : i32
        %swap3A_1083 = arith.index_cast %swap3A_1082 : i32 to index
        %swap3A_1084 = arith.index_cast %mul3A_17 : i32 to index
        %swap3A_1085 = tpu.vector_load %arg5[%swap3A_1083, %swap3A_1084] {strides = array<i32>} : memref<64x512xf32, #tpu.memory_space<vmem>>, vector<1x16xf32>,
        %swap3A_1086 = vector.shape_cast %swap3A_1085 : vector<1x16xf32> to vector<16xf32>
        %swap3A_1087 = vector.shape_cast %mul3A_1081 : vector<16xf32> to vector<1x16xf32>
        tpu.vector_store %arg5[%swap3A_1083, %swap3A_1084], %swap3A_1087 {strides = array<i32>} : memref<64x512xf32, #tpu.memory_space<vmem>>, vector<1x16xf32>,
        %get3A_1088 = arith.constant 44 : i32
        %get3A_1089 = arith.index_cast %get3A_1088 : i32 to index
        %get3A_1090 = arith.index_cast %mul3A_17 : i32 to index
        %get3A_1091 = tpu.vector_load %arg4[%get3A_1089, %get3A_1090] {strides = array<i32>} : memref<64x512xf32, #tpu.memory_space<vmem>>, vector<1x16xf32>,
        %get3A_1092 = vector.shape_cast %get3A_1091 : vector<1x16xf32> to vector<16xf32>
        %mul3A_1093 = arith.mulf %get3A_1092, %select_n3A : vector<16xf32>
        %swap3A_1094 = arith.constant 44 : i32
        %swap3A_1095 = arith.index_cast %swap3A_1094 : i32 to index
        %swap3A_1096 = arith.index_cast %mul3A_17 : i32 to index
        %swap3A_1097 = tpu.vector_load %arg5[%swap3A_1095, %swap3A_1096] {strides = array<i32>} : memref<64x512xf32, #tpu.memory_space<vmem>>, vector<1x16xf32>,
        %swap3A_1098 = vector.shape_cast %swap3A_1097 : vector<1x16xf32> to vector<16xf32>
        %swap3A_1099 = vector.shape_cast %mul3A_1093 : vector<16xf32> to vector<1x16xf32>
        tpu.vector_store %arg5[%swap3A_1095, %swap3A_1096], %swap3A_1099 {strides = array<i32>} : memref<64x512xf32, #tpu.memory_space<vmem>>, vector<1x16xf32>,
        %get3A_1100 = arith.constant 45 : i32
        %get3A_1101 = arith.index_cast %get3A_1100 : i32 to index
        %get3A_1102 = arith.index_cast %mul3A_17 : i32 to index
        %get3A_1103 = tpu.vector_load %arg4[%get3A_1101, %get3A_1102] {strides = array<i32>} : memref<64x512xf32, #tpu.memory_space<vmem>>, vector<1x16xf32>,
        %get3A_1104 = vector.shape_cast %get3A_1103 : vector<1x16xf32> to vector<16xf32>
        %mul3A_1105 = arith.mulf %get3A_1104, %select_n3A : vector<16xf32>
        %swap3A_1106 = arith.constant 45 : i32
        %swap3A_1107 = arith.index_cast %swap3A_1106 : i32 to index
        %swap3A_1108 = arith.index_cast %mul3A_17 : i32 to index
        %swap3A_1109 = tpu.vector_load %arg5[%swap3A_1107, %swap3A_1108] {strides = array<i32>} : memref<64x512xf32, #tpu.memory_space<vmem>>, vector<1x16xf32>,
        %swap3A_1110 = vector.shape_cast %swap3A_1109 : vector<1x16xf32> to vector<16xf32>
        %swap3A_1111 = vector.shape_cast %mul3A_1105 : vector<16xf32> to vector<1x16xf32>
        tpu.vector_store %arg5[%swap3A_1107, %swap3A_1108], %swap3A_1111 {strides = array<i32>} : memref<64x512xf32, #tpu.memory_space<vmem>>, vector<1x16xf32>,
        %get3A_1112 = arith.constant 46 : i32
        %get3A_1113 = arith.index_cast %get3A_1112 : i32 to index
        %get3A_1114 = arith.index_cast %mul3A_17 : i32 to index
        %get3A_1115 = tpu.vector_load %arg4[%get3A_1113, %get3A_1114] {strides = array<i32>} : memref<64x512xf32, #tpu.memory_space<vmem>>, vector<1x16xf32>,
        %get3A_1116 = vector.shape_cast %get3A_1115 : vector<1x16xf32> to vector<16xf32>
        %mul3A_1117 = arith.mulf %get3A_1116, %select_n3A : vector<16xf32>
        %swap3A_1118 = arith.constant 46 : i32
        %swap3A_1119 = arith.index_cast %swap3A_1118 : i32 to index
        %swap3A_1120 = arith.index_cast %mul3A_17 : i32 to index
        %swap3A_1121 = tpu.vector_load %arg5[%swap3A_1119, %swap3A_1120] {strides = array<i32>} : memref<64x512xf32, #tpu.memory_space<vmem>>, vector<1x16xf32>,
        %swap3A_1122 = vector.shape_cast %swap3A_1121 : vector<1x16xf32> to vector<16xf32>
        %swap3A_1123 = vector.shape_cast %mul3A_1117 : vector<16xf32> to vector<1x16xf32>
        tpu.vector_store %arg5[%swap3A_1119, %swap3A_1120], %swap3A_1123 {strides = array<i32>} : memref<64x512xf32, #tpu.memory_space<vmem>>, vector<1x16xf32>,
        %get3A_1124 = arith.constant 47 : i32
        %get3A_1125 = arith.index_cast %get3A_1124 : i32 to index
        %get3A_1126 = arith.index_cast %mul3A_17 : i32 to index
        %get3A_1127 = tpu.vector_load %arg4[%get3A_1125, %get3A_1126] {strides = array<i32>} : memref<64x512xf32, #tpu.memory_space<vmem>>, vector<1x16xf32>,
        %get3A_1128 = vector.shape_cast %get3A_1127 : vector<1x16xf32> to vector<16xf32>
        %mul3A_1129 = arith.mulf %get3A_1128, %select_n3A : vector<16xf32>
        %swap3A_1130 = arith.constant 47 : i32
        %swap3A_1131 = arith.index_cast %swap3A_1130 : i32 to index
        %swap3A_1132 = arith.index_cast %mul3A_17 : i32 to index
        %swap3A_1133 = tpu.vector_load %arg5[%swap3A_1131, %swap3A_1132] {strides = array<i32>} : memref<64x512xf32, #tpu.memory_space<vmem>>, vector<1x16xf32>,
        %swap3A_1134 = vector.shape_cast %swap3A_1133 : vector<1x16xf32> to vector<16xf32>
        %swap3A_1135 = vector.shape_cast %mul3A_1129 : vector<16xf32> to vector<1x16xf32>
        tpu.vector_store %arg5[%swap3A_1131, %swap3A_1132], %swap3A_1135 {strides = array<i32>} : memref<64x512xf32, #tpu.memory_space<vmem>>, vector<1x16xf32>,
        %get3A_1136 = arith.constant 48 : i32
        %get3A_1137 = arith.index_cast %get3A_1136 : i32 to index
        %get3A_1138 = arith.index_cast %mul3A_17 : i32 to index
        %get3A_1139 = tpu.vector_load %arg4[%get3A_1137, %get3A_1138] {strides = array<i32>} : memref<64x512xf32, #tpu.memory_space<vmem>>, vector<1x16xf32>,
        %get3A_1140 = vector.shape_cast %get3A_1139 : vector<1x16xf32> to vector<16xf32>
        %mul3A_1141 = arith.mulf %get3A_1140, %select_n3A : vector<16xf32>
        %swap3A_1142 = arith.constant 48 : i32
        %swap3A_1143 = arith.index_cast %swap3A_1142 : i32 to index
        %swap3A_1144 = arith.index_cast %mul3A_17 : i32 to index
        %swap3A_1145 = tpu.vector_load %arg5[%swap3A_1143, %swap3A_1144] {strides = array<i32>} : memref<64x512xf32, #tpu.memory_space<vmem>>, vector<1x16xf32>,
        %swap3A_1146 = vector.shape_cast %swap3A_1145 : vector<1x16xf32> to vector<16xf32>
        %swap3A_1147 = vector.shape_cast %mul3A_1141 : vector<16xf32> to vector<1x16xf32>
        tpu.vector_store %arg5[%swap3A_1143, %swap3A_1144], %swap3A_1147 {strides = array<i32>} : memref<64x512xf32, #tpu.memory_space<vmem>>, vector<1x16xf32>,
        %get3A_1148 = arith.constant 49 : i32
        %get3A_1149 = arith.index_cast %get3A_1148 : i32 to index
        %get3A_1150 = arith.index_cast %mul3A_17 : i32 to index
        %get3A_1151 = tpu.vector_load %arg4[%get3A_1149, %get3A_1150] {strides = array<i32>} : memref<64x512xf32, #tpu.memory_space<vmem>>, vector<1x16xf32>,
        %get3A_1152 = vector.shape_cast %get3A_1151 : vector<1x16xf32> to vector<16xf32>
        %mul3A_1153 = arith.mulf %get3A_1152, %select_n3A : vector<16xf32>
        %swap3A_1154 = arith.constant 49 : i32
        %swap3A_1155 = arith.index_cast %swap3A_1154 : i32 to index
        %swap3A_1156 = arith.index_cast %mul3A_17 : i32 to index
        %swap3A_1157 = tpu.vector_load %arg5[%swap3A_1155, %swap3A_1156] {strides = array<i32>} : memref<64x512xf32, #tpu.memory_space<vmem>>, vector<1x16xf32>,
        %swap3A_1158 = vector.shape_cast %swap3A_1157 : vector<1x16xf32> to vector<16xf32>
        %swap3A_1159 = vector.shape_cast %mul3A_1153 : vector<16xf32> to vector<1x16xf32>
        tpu.vector_store %arg5[%swap3A_1155, %swap3A_1156], %swap3A_1159 {strides = array<i32>} : memref<64x512xf32, #tpu.memory_space<vmem>>, vector<1x16xf32>,
        %get3A_1160 = arith.constant 50 : i32
        %get3A_1161 = arith.index_cast %get3A_1160 : i32 to index
        %get3A_1162 = arith.index_cast %mul3A_17 : i32 to index
        %get3A_1163 = tpu.vector_load %arg4[%get3A_1161, %get3A_1162] {strides = array<i32>} : memref<64x512xf32, #tpu.memory_space<vmem>>, vector<1x16xf32>,
        %get3A_1164 = vector.shape_cast %get3A_1163 : vector<1x16xf32> to vector<16xf32>
        %mul3A_1165 = arith.mulf %get3A_1164, %select_n3A : vector<16xf32>
        %swap3A_1166 = arith.constant 50 : i32
        %swap3A_1167 = arith.index_cast %swap3A_1166 : i32 to index
        %swap3A_1168 = arith.index_cast %mul3A_17 : i32 to index
        %swap3A_1169 = tpu.vector_load %arg5[%swap3A_1167, %swap3A_1168] {strides = array<i32>} : memref<64x512xf32, #tpu.memory_space<vmem>>, vector<1x16xf32>,
        %swap3A_1170 = vector.shape_cast %swap3A_1169 : vector<1x16xf32> to vector<16xf32>
        %swap3A_1171 = vector.shape_cast %mul3A_1165 : vector<16xf32> to vector<1x16xf32>
        tpu.vector_store %arg5[%swap3A_1167, %swap3A_1168], %swap3A_1171 {strides = array<i32>} : memref<64x512xf32, #tpu.memory_space<vmem>>, vector<1x16xf32>,
        %get3A_1172 = arith.constant 51 : i32
        %get3A_1173 = arith.index_cast %get3A_1172 : i32 to index
        %get3A_1174 = arith.index_cast %mul3A_17 : i32 to index
        %get3A_1175 = tpu.vector_load %arg4[%get3A_1173, %get3A_1174] {strides = array<i32>} : memref<64x512xf32, #tpu.memory_space<vmem>>, vector<1x16xf32>,
        %get3A_1176 = vector.shape_cast %get3A_1175 : vector<1x16xf32> to vector<16xf32>
        %mul3A_1177 = arith.mulf %get3A_1176, %select_n3A : vector<16xf32>
        %swap3A_1178 = arith.constant 51 : i32
        %swap3A_1179 = arith.index_cast %swap3A_1178 : i32 to index
        %swap3A_1180 = arith.index_cast %mul3A_17 : i32 to index
        %swap3A_1181 = tpu.vector_load %arg5[%swap3A_1179, %swap3A_1180] {strides = array<i32>} : memref<64x512xf32, #tpu.memory_space<vmem>>, vector<1x16xf32>,
        %swap3A_1182 = vector.shape_cast %swap3A_1181 : vector<1x16xf32> to vector<16xf32>
        %swap3A_1183 = vector.shape_cast %mul3A_1177 : vector<16xf32> to vector<1x16xf32>
        tpu.vector_store %arg5[%swap3A_1179, %swap3A_1180], %swap3A_1183 {strides = array<i32>} : memref<64x512xf32, #tpu.memory_space<vmem>>, vector<1x16xf32>,
        %get3A_1184 = arith.constant 52 : i32
        %get3A_1185 = arith.index_cast %get3A_1184 : i32 to index
        %get3A_1186 = arith.index_cast %mul3A_17 : i32 to index
        %get3A_1187 = tpu.vector_load %arg4[%get3A_1185, %get3A_1186] {strides = array<i32>} : memref<64x512xf32, #tpu.memory_space<vmem>>, vector<1x16xf32>,
        %get3A_1188 = vector.shape_cast %get3A_1187 : vector<1x16xf32> to vector<16xf32>
        %mul3A_1189 = arith.mulf %get3A_1188, %select_n3A : vector<16xf32>
        %swap3A_1190 = arith.constant 52 : i32
        %swap3A_1191 = arith.index_cast %swap3A_1190 : i32 to index
        %swap3A_1192 = arith.index_cast %mul3A_17 : i32 to index
        %swap3A_1193 = tpu.vector_load %arg5[%swap3A_1191, %swap3A_1192] {strides = array<i32>} : memref<64x512xf32, #tpu.memory_space<vmem>>, vector<1x16xf32>,
        %swap3A_1194 = vector.shape_cast %swap3A_1193 : vector<1x16xf32> to vector<16xf32>
        %swap3A_1195 = vector.shape_cast %mul3A_1189 : vector<16xf32> to vector<1x16xf32>
        tpu.vector_store %arg5[%swap3A_1191, %swap3A_1192], %swap3A_1195 {strides = array<i32>} : memref<64x512xf32, #tpu.memory_space<vmem>>, vector<1x16xf32>,
        %get3A_1196 = arith.constant 53 : i32
        %get3A_1197 = arith.index_cast %get3A_1196 : i32 to index
        %get3A_1198 = arith.index_cast %mul3A_17 : i32 to index
        %get3A_1199 = tpu.vector_load %arg4[%get3A_1197, %get3A_1198] {strides = array<i32>} : memref<64x512xf32, #tpu.memory_space<vmem>>, vector<1x16xf32>,
        %get3A_1200 = vector.shape_cast %get3A_1199 : vector<1x16xf32> to vector<16xf32>
        %mul3A_1201 = arith.mulf %get3A_1200, %select_n3A : vector<16xf32>
        %swap3A_1202 = arith.constant 53 : i32
        %swap3A_1203 = arith.index_cast %swap3A_1202 : i32 to index
        %swap3A_1204 = arith.index_cast %mul3A_17 : i32 to index
        %swap3A_1205 = tpu.vector_load %arg5[%swap3A_1203, %swap3A_1204] {strides = array<i32>} : memref<64x512xf32, #tpu.memory_space<vmem>>, vector<1x16xf32>,
        %swap3A_1206 = vector.shape_cast %swap3A_1205 : vector<1x16xf32> to vector<16xf32>
        %swap3A_1207 = vector.shape_cast %mul3A_1201 : vector<16xf32> to vector<1x16xf32>
        tpu.vector_store %arg5[%swap3A_1203, %swap3A_1204], %swap3A_1207 {strides = array<i32>} : memref<64x512xf32, #tpu.memory_space<vmem>>, vector<1x16xf32>,
        %get3A_1208 = arith.constant 54 : i32
        %get3A_1209 = arith.index_cast %get3A_1208 : i32 to index
        %get3A_1210 = arith.index_cast %mul3A_17 : i32 to index
        %get3A_1211 = tpu.vector_load %arg4[%get3A_1209, %get3A_1210] {strides = array<i32>} : memref<64x512xf32, #tpu.memory_space<vmem>>, vector<1x16xf32>,
        %get3A_1212 = vector.shape_cast %get3A_1211 : vector<1x16xf32> to vector<16xf32>
        %mul3A_1213 = arith.mulf %get3A_1212, %select_n3A : vector<16xf32>
        %swap3A_1214 = arith.constant 54 : i32
        %swap3A_1215 = arith.index_cast %swap3A_1214 : i32 to index
        %swap3A_1216 = arith.index_cast %mul3A_17 : i32 to index
        %swap3A_1217 = tpu.vector_load %arg5[%swap3A_1215, %swap3A_1216] {strides = array<i32>} : memref<64x512xf32, #tpu.memory_space<vmem>>, vector<1x16xf32>,
        %swap3A_1218 = vector.shape_cast %swap3A_1217 : vector<1x16xf32> to vector<16xf32>
        %swap3A_1219 = vector.shape_cast %mul3A_1213 : vector<16xf32> to vector<1x16xf32>
        tpu.vector_store %arg5[%swap3A_1215, %swap3A_1216], %swap3A_1219 {strides = array<i32>} : memref<64x512xf32, #tpu.memory_space<vmem>>, vector<1x16xf32>,
        %get3A_1220 = arith.constant 55 : i32
        %get3A_1221 = arith.index_cast %get3A_1220 : i32 to index
        %get3A_1222 = arith.index_cast %mul3A_17 : i32 to index
        %get3A_1223 = tpu.vector_load %arg4[%get3A_1221, %get3A_1222] {strides = array<i32>} : memref<64x512xf32, #tpu.memory_space<vmem>>, vector<1x16xf32>,
        %get3A_1224 = vector.shape_cast %get3A_1223 : vector<1x16xf32> to vector<16xf32>
        %mul3A_1225 = arith.mulf %get3A_1224, %select_n3A : vector<16xf32>
        %swap3A_1226 = arith.constant 55 : i32
        %swap3A_1227 = arith.index_cast %swap3A_1226 : i32 to index
        %swap3A_1228 = arith.index_cast %mul3A_17 : i32 to index
        %swap3A_1229 = tpu.vector_load %arg5[%swap3A_1227, %swap3A_1228] {strides = array<i32>} : memref<64x512xf32, #tpu.memory_space<vmem>>, vector<1x16xf32>,
        %swap3A_1230 = vector.shape_cast %swap3A_1229 : vector<1x16xf32> to vector<16xf32>
        %swap3A_1231 = vector.shape_cast %mul3A_1225 : vector<16xf32> to vector<1x16xf32>
        tpu.vector_store %arg5[%swap3A_1227, %swap3A_1228], %swap3A_1231 {strides = array<i32>} : memref<64x512xf32, #tpu.memory_space<vmem>>, vector<1x16xf32>,
        %get3A_1232 = arith.constant 56 : i32
        %get3A_1233 = arith.index_cast %get3A_1232 : i32 to index
        %get3A_1234 = arith.index_cast %mul3A_17 : i32 to index
        %get3A_1235 = tpu.vector_load %arg4[%get3A_1233, %get3A_1234] {strides = array<i32>} : memref<64x512xf32, #tpu.memory_space<vmem>>, vector<1x16xf32>,
        %get3A_1236 = vector.shape_cast %get3A_1235 : vector<1x16xf32> to vector<16xf32>
        %mul3A_1237 = arith.mulf %get3A_1236, %select_n3A : vector<16xf32>
        %swap3A_1238 = arith.constant 56 : i32
        %swap3A_1239 = arith.index_cast %swap3A_1238 : i32 to index
        %swap3A_1240 = arith.index_cast %mul3A_17 : i32 to index
        %swap3A_1241 = tpu.vector_load %arg5[%swap3A_1239, %swap3A_1240] {strides = array<i32>} : memref<64x512xf32, #tpu.memory_space<vmem>>, vector<1x16xf32>,
        %swap3A_1242 = vector.shape_cast %swap3A_1241 : vector<1x16xf32> to vector<16xf32>
        %swap3A_1243 = vector.shape_cast %mul3A_1237 : vector<16xf32> to vector<1x16xf32>
        tpu.vector_store %arg5[%swap3A_1239, %swap3A_1240], %swap3A_1243 {strides = array<i32>} : memref<64x512xf32, #tpu.memory_space<vmem>>, vector<1x16xf32>,
        %get3A_1244 = arith.constant 57 : i32
        %get3A_1245 = arith.index_cast %get3A_1244 : i32 to index
        %get3A_1246 = arith.index_cast %mul3A_17 : i32 to index
        %get3A_1247 = tpu.vector_load %arg4[%get3A_1245, %get3A_1246] {strides = array<i32>} : memref<64x512xf32, #tpu.memory_space<vmem>>, vector<1x16xf32>,
        %get3A_1248 = vector.shape_cast %get3A_1247 : vector<1x16xf32> to vector<16xf32>
        %mul3A_1249 = arith.mulf %get3A_1248, %select_n3A : vector<16xf32>
        %swap3A_1250 = arith.constant 57 : i32
        %swap3A_1251 = arith.index_cast %swap3A_1250 : i32 to index
        %swap3A_1252 = arith.index_cast %mul3A_17 : i32 to index
        %swap3A_1253 = tpu.vector_load %arg5[%swap3A_1251, %swap3A_1252] {strides = array<i32>} : memref<64x512xf32, #tpu.memory_space<vmem>>, vector<1x16xf32>,
        %swap3A_1254 = vector.shape_cast %swap3A_1253 : vector<1x16xf32> to vector<16xf32>
        %swap3A_1255 = vector.shape_cast %mul3A_1249 : vector<16xf32> to vector<1x16xf32>
        tpu.vector_store %arg5[%swap3A_1251, %swap3A_1252], %swap3A_1255 {strides = array<i32>} : memref<64x512xf32, #tpu.memory_space<vmem>>, vector<1x16xf32>,
        %get3A_1256 = arith.constant 58 : i32
        %get3A_1257 = arith.index_cast %get3A_1256 : i32 to index
        %get3A_1258 = arith.index_cast %mul3A_17 : i32 to index
        %get3A_1259 = tpu.vector_load %arg4[%get3A_1257, %get3A_1258] {strides = array<i32>} : memref<64x512xf32, #tpu.memory_space<vmem>>, vector<1x16xf32>,
        %get3A_1260 = vector.shape_cast %get3A_1259 : vector<1x16xf32> to vector<16xf32>
        %mul3A_1261 = arith.mulf %get3A_1260, %select_n3A : vector<16xf32>
        %swap3A_1262 = arith.constant 58 : i32
        %swap3A_1263 = arith.index_cast %swap3A_1262 : i32 to index
        %swap3A_1264 = arith.index_cast %mul3A_17 : i32 to index
        %swap3A_1265 = tpu.vector_load %arg5[%swap3A_1263, %swap3A_1264] {strides = array<i32>} : memref<64x512xf32, #tpu.memory_space<vmem>>, vector<1x16xf32>,
        %swap3A_1266 = vector.shape_cast %swap3A_1265 : vector<1x16xf32> to vector<16xf32>
        %swap3A_1267 = vector.shape_cast %mul3A_1261 : vector<16xf32> to vector<1x16xf32>
        tpu.vector_store %arg5[%swap3A_1263, %swap3A_1264], %swap3A_1267 {strides = array<i32>} : memref<64x512xf32, #tpu.memory_space<vmem>>, vector<1x16xf32>,
        %get3A_1268 = arith.constant 59 : i32
        %get3A_1269 = arith.index_cast %get3A_1268 : i32 to index
        %get3A_1270 = arith.index_cast %mul3A_17 : i32 to index
        %get3A_1271 = tpu.vector_load %arg4[%get3A_1269, %get3A_1270] {strides = array<i32>} : memref<64x512xf32, #tpu.memory_space<vmem>>, vector<1x16xf32>,
        %get3A_1272 = vector.shape_cast %get3A_1271 : vector<1x16xf32> to vector<16xf32>
        %mul3A_1273 = arith.mulf %get3A_1272, %select_n3A : vector<16xf32>
        %swap3A_1274 = arith.constant 59 : i32
        %swap3A_1275 = arith.index_cast %swap3A_1274 : i32 to index
        %swap3A_1276 = arith.index_cast %mul3A_17 : i32 to index
        %swap3A_1277 = tpu.vector_load %arg5[%swap3A_1275, %swap3A_1276] {strides = array<i32>} : memref<64x512xf32, #tpu.memory_space<vmem>>, vector<1x16xf32>,
        %swap3A_1278 = vector.shape_cast %swap3A_1277 : vector<1x16xf32> to vector<16xf32>
        %swap3A_1279 = vector.shape_cast %mul3A_1273 : vector<16xf32> to vector<1x16xf32>
        tpu.vector_store %arg5[%swap3A_1275, %swap3A_1276], %swap3A_1279 {strides = array<i32>} : memref<64x512xf32, #tpu.memory_space<vmem>>, vector<1x16xf32>,
        %get3A_1280 = arith.constant 60 : i32
        %get3A_1281 = arith.index_cast %get3A_1280 : i32 to index
        %get3A_1282 = arith.index_cast %mul3A_17 : i32 to index
        %get3A_1283 = tpu.vector_load %arg4[%get3A_1281, %get3A_1282] {strides = array<i32>} : memref<64x512xf32, #tpu.memory_space<vmem>>, vector<1x16xf32>,
        %get3A_1284 = vector.shape_cast %get3A_1283 : vector<1x16xf32> to vector<16xf32>
        %mul3A_1285 = arith.mulf %get3A_1284, %select_n3A : vector<16xf32>
        %swap3A_1286 = arith.constant 60 : i32
        %swap3A_1287 = arith.index_cast %swap3A_1286 : i32 to index
        %swap3A_1288 = arith.index_cast %mul3A_17 : i32 to index
        %swap3A_1289 = tpu.vector_load %arg5[%swap3A_1287, %swap3A_1288] {strides = array<i32>} : memref<64x512xf32, #tpu.memory_space<vmem>>, vector<1x16xf32>,
        %swap3A_1290 = vector.shape_cast %swap3A_1289 : vector<1x16xf32> to vector<16xf32>
        %swap3A_1291 = vector.shape_cast %mul3A_1285 : vector<16xf32> to vector<1x16xf32>
        tpu.vector_store %arg5[%swap3A_1287, %swap3A_1288], %swap3A_1291 {strides = array<i32>} : memref<64x512xf32, #tpu.memory_space<vmem>>, vector<1x16xf32>,
        %get3A_1292 = arith.constant 61 : i32
        %get3A_1293 = arith.index_cast %get3A_1292 : i32 to index
        %get3A_1294 = arith.index_cast %mul3A_17 : i32 to index
        %get3A_1295 = tpu.vector_load %arg4[%get3A_1293, %get3A_1294] {strides = array<i32>} : memref<64x512xf32, #tpu.memory_space<vmem>>, vector<1x16xf32>,
        %get3A_1296 = vector.shape_cast %get3A_1295 : vector<1x16xf32> to vector<16xf32>
        %mul3A_1297 = arith.mulf %get3A_1296, %select_n3A : vector<16xf32>
        %swap3A_1298 = arith.constant 61 : i32
        %swap3A_1299 = arith.index_cast %swap3A_1298 : i32 to index
        %swap3A_1300 = arith.index_cast %mul3A_17 : i32 to index
        %swap3A_1301 = tpu.vector_load %arg5[%swap3A_1299, %swap3A_1300] {strides = array<i32>} : memref<64x512xf32, #tpu.memory_space<vmem>>, vector<1x16xf32>,
        %swap3A_1302 = vector.shape_cast %swap3A_1301 : vector<1x16xf32> to vector<16xf32>
        %swap3A_1303 = vector.shape_cast %mul3A_1297 : vector<16xf32> to vector<1x16xf32>
        tpu.vector_store %arg5[%swap3A_1299, %swap3A_1300], %swap3A_1303 {strides = array<i32>} : memref<64x512xf32, #tpu.memory_space<vmem>>, vector<1x16xf32>,
        %get3A_1304 = arith.constant 62 : i32
        %get3A_1305 = arith.index_cast %get3A_1304 : i32 to index
        %get3A_1306 = arith.index_cast %mul3A_17 : i32 to index
        %get3A_1307 = tpu.vector_load %arg4[%get3A_1305, %get3A_1306] {strides = array<i32>} : memref<64x512xf32, #tpu.memory_space<vmem>>, vector<1x16xf32>,
        %get3A_1308 = vector.shape_cast %get3A_1307 : vector<1x16xf32> to vector<16xf32>
        %mul3A_1309 = arith.mulf %get3A_1308, %select_n3A : vector<16xf32>
        %swap3A_1310 = arith.constant 62 : i32
        %swap3A_1311 = arith.index_cast %swap3A_1310 : i32 to index
        %swap3A_1312 = arith.index_cast %mul3A_17 : i32 to index
        %swap3A_1313 = tpu.vector_load %arg5[%swap3A_1311, %swap3A_1312] {strides = array<i32>} : memref<64x512xf32, #tpu.memory_space<vmem>>, vector<1x16xf32>,
        %swap3A_1314 = vector.shape_cast %swap3A_1313 : vector<1x16xf32> to vector<16xf32>
        %swap3A_1315 = vector.shape_cast %mul3A_1309 : vector<16xf32> to vector<1x16xf32>
        tpu.vector_store %arg5[%swap3A_1311, %swap3A_1312], %swap3A_1315 {strides = array<i32>} : memref<64x512xf32, #tpu.memory_space<vmem>>, vector<1x16xf32>,
        %get3A_1316 = arith.constant 63 : i32
        %get3A_1317 = arith.index_cast %get3A_1316 : i32 to index
        %get3A_1318 = arith.index_cast %mul3A_17 : i32 to index
        %get3A_1319 = tpu.vector_load %arg4[%get3A_1317, %get3A_1318] {strides = array<i32>} : memref<64x512xf32, #tpu.memory_space<vmem>>, vector<1x16xf32>,
        %get3A_1320 = vector.shape_cast %get3A_1319 : vector<1x16xf32> to vector<16xf32>
        %mul3A_1321 = arith.mulf %get3A_1320, %select_n3A : vector<16xf32>
        %swap3A_1322 = arith.constant 63 : i32
        %swap3A_1323 = arith.index_cast %swap3A_1322 : i32 to index
        %swap3A_1324 = arith.index_cast %mul3A_17 : i32 to index
        %swap3A_1325 = tpu.vector_load %arg5[%swap3A_1323, %swap3A_1324] {strides = array<i32>} : memref<64x512xf32, #tpu.memory_space<vmem>>, vector<1x16xf32>,
        %swap3A_1326 = vector.shape_cast %swap3A_1325 : vector<1x16xf32> to vector<16xf32>
        %swap3A_1327 = vector.shape_cast %mul3A_1321 : vector<16xf32> to vector<1x16xf32>
        tpu.vector_store %arg5[%swap3A_1323, %swap3A_1324], %swap3A_1327 {strides = array<i32>} : memref<64x512xf32, #tpu.memory_space<vmem>>, vector<1x16xf32>,
      }
      %scan3A_14 = arith.constant 32 : i32
      "tpu.region"() ({
        %run_scoped3A = tpu.sem_alloc : memref<!tpu.dma_semaphore, #tpu.memory_space<semaphore_mem>>
        %dma_start3A = arith.constant 0 : i32
        %dma_start3A_15 = tpu.memref_slice %arg3[%scan3A_8, %dma_start3A, %mul3A_2] : memref<50x64x16384xf32, #tpu.memory_space<hbm>> -> memref<1x64x512xf32, #tpu.memory_space<hbm>>
        %dma_start3A_16 = tpu.memref_squeeze %dma_start3A_15 : memref<1x64x512xf32, #tpu.memory_space<hbm>> -> memref<64x512xf32, #tpu.memory_space<hbm>>
        %dma_start3A_17 = arith.constant 0 : i32
        %dma_start3A_18 = tpu.memref_slice %arg3[%scan3A_8, %dma_start3A_17, %mul3A_2] : memref<50x64x16384xf32, #tpu.memory_space<hbm>> -> memref<1x64x512xf32, #tpu.memory_space<hbm>>
        %dma_start3A_19 = tpu.memref_squeeze %dma_start3A_18 : memref<1x64x512xf32, #tpu.memory_space<hbm>> -> memref<64x512xf32, #tpu.memory_space<hbm>>
        tpu.enqueue_dma source(%arg5 : memref<64x512xf32, #tpu.memory_space<vmem>>) target(%dma_start3A_19 : memref<64x512xf32, #tpu.memory_space<hbm>>) target_semaphore(%run_scoped3A : memref<!tpu.dma_semaphore, #tpu.memory_space<semaphore_mem>>)
        %dma_wait3A = arith.constant 0 : i32
        %dma_wait3A_20 = tpu.memref_slice %arg3[%scan3A_8, %dma_wait3A, %mul3A_2] : memref<50x64x16384xf32, #tpu.memory_space<hbm>> -> memref<1x64x512xf32, #tpu.memory_space<hbm>>
        %dma_wait3A_21 = tpu.memref_squeeze %dma_wait3A_20 : memref<1x64x512xf32, #tpu.memory_space<hbm>> -> memref<64x512xf32, #tpu.memory_space<hbm>>
        %dma_wait3A_22 = arith.constant 0 : i32
        %dma_wait3A_23 = tpu.memref_slice %arg3[%scan3A_8, %dma_wait3A_22, %mul3A_2] : memref<50x64x16384xf32, #tpu.memory_space<hbm>> -> memref<1x64x512xf32, #tpu.memory_space<hbm>>
        %dma_wait3A_24 = tpu.memref_squeeze %dma_wait3A_23 : memref<1x64x512xf32, #tpu.memory_space<hbm>> -> memref<64x512xf32, #tpu.memory_space<hbm>>
        tpu.wait_dma2 semaphore(%run_scoped3A : memref<!tpu.dma_semaphore, #tpu.memory_space<semaphore_mem>>) src(%arg5 : memref<64x512xf32, #tpu.memory_space<vmem>>) dst(%dma_wait3A_24 : memref<64x512xf32, #tpu.memory_space<hbm>>)
        tpu.yield
      }) : () -> ()
    }
    %scan3A_7 = arith.constant 50 : i32
    return
  }
}

</mosaic_0001>

<sc_bundles>
// kernel: kernel.3.cloned.1.call-start
scs
__scs_entry_jumppad:
0x0: {  	(pc) =	sbr.rel $0x88, $3  }
0x1: {  	(tag) =	ssettag $0x0;
	lr =	simm.s32 $0x1  }
0x2: {  	[smem:$0x3FA0] =	sst lr;
	_ =	strace $0xD0000000  }
0x3: {  	_ = 	snop  }
0x4: {  	_ = 	snop  }
0x5: {  	_ = 	snop  }
0x6: {  	_ = 	snop  }
0x7: {  	_ = 	snop  }
__scs_overlays_trampoline_lowered:
0x8: {  	[smem:$0x3FAF] =	sst s0  }
0x9: {  	[smem:$0x3FB0] =	sst s1  }
0xa: {  	[smem:$0x3FB1] =	sst s2  }
0xb: {  	[smem:$0x3FB2] =	sst s3  }
0xc: {  	[smem:$0x3FB3] =	sst s4  }
0xd: {  	[smem:$0x3FB4] =	sst s5  }
0xe: {  	[smem:$0x3FB5] =	sst s6  }
0xf: {  	[smem:$0x3FB6] =	sst s7  }
0x10: {  	[smem:$0x3FB7] =	sst s8  }
0x11: {  	[smem:$0x3FB8] =	sst s9;
	s0 =	simm.s32 @!p0 $0x0  }
0x12: {  	s1 =	sld [smem:$0x3F9E];
	s0 =	simm.s32 @p0 $0x1  }
0x13: {  	[smem:$0x3FB9] =	sst s0;
	s0 =	simm.s32 @!p1 $0x0  }
0x14: {  	s2 =	sld [smem:$0x3F9D];
	s0 =	simm.s32 @p1 $0x1  }
0x15: {  	[smem:$0x3FBA] =	sst s0;
	s0 =	simm.s32 @!p2 $0x0  }
0x16: {  	s3 =	sld [smem:$0x3FDB];
	s0 =	simm.s32 @p2 $0x1  }
0x17: {  	s4 =	simm.s32 $0x1BF5;
	[smem:$0x3FBC] =	sst s0  }
0x18: {  	s0 =	sld [smem:$0x3F9F];
	_ =	swait.ge [sflag:s4], $0x0  }
0x19: {  	s7 =	sld [smem:$0x3FA0]  }
0x1a: {  	s8 =	sadd.s32 $0xFFFFE003, lr  }
0x1b: {  	s9 =	sadd.s32 $0xFFFFFEF7, lr;
	s5 =	simm.s32 $0xFFFFFFFF;
	p2 =	slt.u32 s8, $0xFFFFF086  }
0x1c: {  	p1 =	slt.u32 s9, $0xF7A;
	s5 =	simm.s32 @!p2 $0x0  }
0x1d: {  	s5 =	simm.s32 @p1 $0x1;
	p0 =	seq.s32 s7, s2  }
0x1e: {  	s7 =	smul.u32 @!p0 $0xF7A, s2;
	p2 =	seq.s32 @!p0 s5, $0x0  }
0x1f: {  	s9 =	smul.u32 $0xF7A, s1;
	s8 =	simm.s32 @!p0 $0x1BF5;
	p2 =	por !p2, p0  }
0x20: {  	[sflag:s8] =	ssyncset.s32 @!p0 $0xFFFFF086;
	s6 =	sadd.s32 @!p0 s3, s7;
	s7 =	simm.s32 @!p0 $0x108  }
0x21: {  	s3 =	sadd.s32 s3, s9;
	s6 =	sadd.s32 @!p0 $0x88, s6;
	s7 =	simm.s32 @p2 $0x1082  }
0x22: {  	[simem:s7], [sflag:s8] =	dma.local @!p0 [hbm:s6], $0xF7A  }
0x23: {  	s9 =	sor.u32 $0xD0000000, s2;
	s6 =	simm.s32 $0x108;
	_ =	swait.ge @!p0 [sflag:s8], $0x0  }
0x24: {  	s3 =	sadd.s32 $0x88, s3;
	s6 =	simm.s32 @!p1 $0x1082;
	[sflag:s4] =	ssyncset.s32 $0xFFFFF086  }
0x25: {  	[simem:s6], [sflag:s4] =	dma.local [hbm:s3], $0xF7A  }
0x26: {  	[smem:$0x3FA0] =	sst s1;
	(tag) =	ssettag s2;
	_ =	strace s9  }
0x27: {  	s1 =	sld [smem:$0x3FB0]  }
0x28: {  	s2 =	sld [smem:$0x3FB1]  }
0x29: {  	s4 =	sld [smem:$0x3FB3]  }
0x2a: {  	p0 =	seq.s32 s5, $0x0;
	s5 =	sld [smem:$0x3FB4]  }
0x2b: {  	s6 =	sld [smem:$0x3FB5]  }
0x2c: {  	s7 =	sld [smem:$0x3FB6]  }
0x2d: {  	s3 =	simm.s32 $0x108;
	s8 =	sld [smem:$0x3FB7]  }
0x2e: {  	s3 =	simm.s32 @!p0 $0x1082;
	s9 =	sld [smem:$0x3FB8]  }
0x2f: {  	lr =	sadd.s32 s0, s3;
	s0 =	sld [smem:$0x3FAF]  }
0x30: {  	s3 =	sld [smem:$0x3FB2]  }
0x31: {  	[smem:$0x3FBB] =	sst s10  }
0x32: {  	s10 =	sld [smem:$0x3FB9];
	_ =	sdelay $0x3  }
0x33: {  	p0 =	seq.s32 s10, $0x1;
	s10 =	sld [smem:$0x3FBB];
	_ =	sdelay $0x3  }
0x34: {  	[smem:$0x3FBB] =	sst s10  }
0x35: {  	s10 =	sld [smem:$0x3FBA];
	_ =	sdelay $0x3  }
0x36: {  	p1 =	seq.s32 s10, $0x1;
	s10 =	sld [smem:$0x3FBB];
	_ =	sdelay $0x3  }
0x37: {  	[smem:$0x3FBB] =	sst s10  }
0x38: {  	s10 =	sld [smem:$0x3FBC]  }
0x39: {  	_ = 	snop;
	(pc) =	sbr.ind lr, $3  }
0x3a: {  	_ = 	snop  }
0x3b: {  	_ = 	snop  }
0x3c: {  	p2 =	seq.s32 s10, $0x1;
	s10 =	sld [smem:$0x3FBB]  }
0x3d: {  	_ =	shalt  }
0x3e: {  	_ =	shalt  }
0x3f: {  	_ =	shalt  }
0x40: {  	_ =	shalt  }
0x41: {  	_ =	shalt  }
0x42: {  	_ =	shalt  }
0x43: {  	_ =	shalt  }
0x44: {  	_ =	shalt  }
0x45: {  	_ =	shalt  }
0x46: {  	_ =	shalt  }
0x47: {  	_ =	shalt  }
0x48: {  	_ =	shalt  }
0x49: {  	_ =	shalt  }
0x4a: {  	_ =	shalt  }
0x4b: {  	_ =	shalt  }
0x4c: {  	_ =	shalt  }
0x4d: {  	_ =	shalt  }
0x4e: {  	_ =	shalt  }
0x4f: {  	_ =	shalt  }
0x50: {  	_ =	shalt  }
0x51: {  	_ =	shalt  }
0x52: {  	_ =	shalt  }
0x53: {  	_ =	shalt  }
0x54: {  	_ =	shalt  }
0x55: {  	_ =	shalt  }
0x56: {  	_ =	shalt  }
0x57: {  	_ =	shalt  }
0x58: {  	_ =	shalt  }
0x59: {  	_ =	shalt  }
0x5a: {  	_ =	shalt  }
0x5b: {  	_ =	shalt  }
0x5c: {  	_ =	shalt  }
0x5d: {  	_ =	shalt  }
0x5e: {  	_ =	shalt  }
0x5f: {  	_ =	shalt  }
0x60: {  	_ =	shalt  }
0x61: {  	_ =	shalt  }
0x62: {  	_ =	shalt  }
0x63: {  	_ =	shalt  }
0x64: {  	_ =	shalt  }
0x65: {  	_ =	shalt  }
0x66: {  	_ =	shalt  }
0x67: {  	_ =	shalt  }
0x68: {  	_ =	shalt  }
0x69: {  	_ =	shalt  }
0x6a: {  	_ =	shalt  }
0x6b: {  	_ =	shalt  }
0x6c: {  	_ =	shalt  }
0x6d: {  	_ =	shalt  }
0x6e: {  	_ =	shalt  }
0x6f: {  	_ =	shalt  }
0x70: {  	_ =	shalt  }
0x71: {  	_ =	shalt  }
0x72: {  	_ =	shalt  }
0x73: {  	_ =	shalt  }
0x74: {  	_ =	shalt  }
0x75: {  	_ =	shalt  }
0x76: {  	_ =	shalt  }
0x77: {  	_ =	shalt  }
0x78: {  	_ =	shalt  }
0x79: {  	_ =	shalt  }
0x7a: {  	_ =	shalt  }
0x7b: {  	_ =	shalt  }
0x7c: {  	_ =	shalt  }
0x7d: {  	_ =	shalt  }
0x7e: {  	_ =	shalt  }
0x7f: {  	_ =	shalt  }
0x80: {  	_ =	shalt  }
0x81: {  	_ =	shalt  }
0x82: {  	_ =	shalt  }
0x83: {  	_ =	shalt  }
0x84: {  	_ =	shalt  }
0x85: {  	_ =	shalt  }
0x86: {  	_ =	shalt  }
0x87: {  	_ =	shalt  }
.Lfunc_end0:
.L_simem_size_0:
called_computation_lowered:
.L_overlay_start_0:
0x88: {  	s2 =	sld [smem:$0x3FD9]  }
0x89: {  	s3 =	sld [smem:$0x3FFE];
	_ =	sdelay $0x1  }
0x8a: {  	s1 =	srdreg.scid  }
0x8b: {  	s0 =	sand.u32 $0x1, s1  }
0x8c: {  	s18 =	sshll.u32 s0, $0xA;
	s2 =	sadd.s32 s3, s2  }
0x8d: {  	s2 =	sadd.s32 s2, s18  }
0x8e: {  	[smem:$0x3FC7] =	sst s2  }
0x8f: {  	_ = 	snop  }
0x90: {  	s2 =	sld [smem:$0x3FC9]  }
0x91: {  	s19 =	sld [smem:$0x3FD0];
	(tm) =	ssettm $0x1  }
0x92: {  	s4 =	sld [smem:$0x3FFB];
	_ =	sdelay $0x3  }
0x93: {  	_ =	strace s4  }
0x94: {  	s4 =	sld [smem:$0x3FFC];
	_ =	sdelay $0x3  }
0x95: {  	_ =	strace s4  }
0x96: {  	s4 =	sld [smem:$0x3FFD];
	_ =	sdelay $0x3  }
0x97: {  	_ =	strace s4  }
0x98: {  	_ =	strace $0x8FFFFFFF  }
0x99: {  	s20 =	sld [smem:$0x3FDB];
	_ =	sdelay $0x1  }
0x9a: {  	s5 =	simm.s32 $_scs_section_size  }
0x9b: {  	s6 =	simm.s32 $_size__tile_overlayer_lowered;
	s7 =	simm.s32 $_tile_overlayer_lowered  }
0x9c: {  	s23 =	simm.s32 $0x1BFF;
	s22 =	sshll.u32 s7, $0x1;
	s4 =	sadd.s32 s5, s20  }
0x9d: {  	s8 =	simm.s32 $0x0;
	s21 =	sshll.u32 s6, $0x1;
	s6 =	sadd.s32 s22, s4  }
0x9e: {  	[timem:s8], [sflag:s23] =	dma.local [hbm:s6], s21  }
0x9f: {  	_ =	swait.ge [sflag:s23], s21  }
0xa0: {  	s5 =	ssub.s32 $0x0, s21;
	[sflag:s23] =	ssyncset.done $0x0  }
0xa1: {  	[sflag:s23] =	ssyncadd.s32 s5;
	_ =	sdelay $0x1  }
0xa2: {  	s24 =	simm.s32 $0x1B8B  }
0xa3: {  	_ =	swait.ge [sflag:s24], $0x1  }
0xa4: {  	[sflag:s24] =	ssyncset.done $0x0  }
0xa5: {  	s25 =	simm.s32 $0x1B8E;
	[sflag:s24] =	ssyncadd.s32 $0xFFFFFFFF  }
0xa6: {  	s26 =	simm.s32 $execute0_lowered;
	[smem:$0x3FD2] =	sst s25  }
0xa7: {  	s5 =	sshll.u32 s26, $0x1;
	_ =	strace $0x80000046;
	[dreg:$0x1] =	wrdreg $0xFFFFFFFF  }
0xa8: {  	s28 =	simm.s32 $_size_execute0_lowered;
	s4 =	sadd.s32 s4, s5;
	[dreg:$0x0] =	wrdreg $0x0  }
0xa9: {  	s5 =	sshll.u32 s28, $0x1;
	[dreg:$0x2] =	wrdreg s4  }
0xaa: {  	[dreg:$0x3] =	wrdreg s5  }
0xab: {  	[dreg:$0x4] =	wrdreg $0xC0  }
0xac: {  	_ =	task [dreg:s8], $0x5FFFF  }
0xad: {  	[dreg:$0x1] =	wrdreg $0xFFFFFFFF  }
0xae: {  	[dreg:$0x0] =	wrdreg $0x60  }
0xaf: {  	[dreg:$0x2] =	wrdreg s2  }
0xb0: {  	[dreg:$0x3] =	wrdreg s19  }
0xb1: {  	[dreg:$0x4] =	wrdreg $0x9  }
0xb2: {  	_ =	task.clear_ibuf [dreg:s8], $0x5FFFF;
	_ =	strace $0x90000046  }
0xb3: {  	s29 =	simm.s32 $0x9;
	_ =	strace $0x80000048  }
0xb4: {  	_ =	swait.ge [sflag:s29], $0x1  }
0xb5: {  	[sflag:s29] =	ssyncadd.s32 $0xFFFFFFFF  }
0xb6: {  	_ =	strace $0x90000048  }
0xb7: {  	_ =	sfence  }
0xb8: {  	s30 =	sld [smem:$0x0];
	_ =	sdelay $0x2  }
0xb9: {  	s31 =	sshll.u32 s1, $0xD;
	s1 =	sshrl.u32 s1, $0x2  }
0xba: {  	s3 =	sand.u32 $0x4000, s31;
	s1 =	sadd.s32 s1, s30  }
0xbb: {  	s0 =	sor.u32 s3, s0;
	s1 =	sshll.u32 s1, $0x11  }
0xbc: {  	s0 =	sor.u32 s1, s0  }
0xbd: {  	s0 =	sadd.s32 $0x8F2B, s0  }
0xbe: {  	[sflag:s0] =	ssyncadd.remote.s32 $0x1  }
0xbf: {  	_ =	sfence.sel $0xFFFF  }
0xc0: {  	[dreg:$0x0] =	wrdreg $0xFFFFFFFF;
	(pc) =	sbr.abs _section_cstart, $3  }
0xc1: {  	[dreg:$0x1] =	wrdreg $0xFFFFFFFF  }
0xc2: {  	_ =	task.clear_ibuf [dreg:s8], $0x2FFFF;
	_ =	strace $0x9FFFFFFF  }
0xc3: {  	(tm) =	ssettm $0x7FFFFFFF  }
tec
execute0_lowered:
.L_overlay_start_1:
0x0: {  	(tag) =	ssettag $0x1  }
0x1: {  	s1 =	rddreg [dreg:$0x0]  }
0x2: {  	s2 =	rddreg [dreg:$0x1];
	s0 =	srdreg.scid;
	s3 =	simm.s32 $0x0  }
0x3: {  	s4 =	stileid.u32;
	s7 =	simm.s32 $0x1000;
	s0 =	sand.u32 $0x1, s0  }
0x4: {  	s8 =	simm.s32 $0x20000;
	s9 =	simm.s32 $0x1;
	s5 =	ssub.s32 $0x2, s0  }
0x5: {  	s10 =	simm.s32 $0x8000;
	[smem:$0x7FF] =	sst s3;
	s6 =	sshrl.u32 s5, $0x1  }
0x6: {  	s31 =	sshll.u32 s4, $0xA;
	s0 =	sshll.u32 s0, $0x9;
	s6 =	ssub.s32 s5, s6  }
0x7: {  	_ =	strace $0x80000047;
	s5 =	sor.u32 s0, s31;
	s6 =	smax.u32 s6, $0x1  }
.LBB2_1:
0x8: {  	s11 =	simm.s32 $0x0  }
.LBB2_2:
0x9: {  	s0 =	sshll.u32 s11, $0x11  }
0xa: {  	s12 =	sor.u32 s5, s0  }
0xb: {  	s13 =	simm.s32 $0x0;
	s0 =	sadd.s32 s1, s12  }
0xc: {  	[tilespmem:s13], [sflag:$0x1] =	stream.strided.gather [hbm4b:s0+s7], $0x8000, s8, s7, $0x38;
	[tilespmem:$0x10000] =	vst v63  }
0xd: {  	_ =	swait.ge [sflag:s9], $0x8000  }
0xe: {  	[sflag:s9] =	ssyncset.done $0x0  }
0xf: {  	s14 =	simm.s32 $0x0;
	[sflag:s9] =	ssyncadd.s32 $0xFFFF8000  }
.LBB2_3:
0x10: {  	s0 =	sand.u32 $0x70, s14;
	s15 =	sand.u32 $0xC00, s13  }
0x11: {  	s15 =	sor.u32 s0, s15  }
0x12: {  	v0 =	vld [tilespmem:s15+$0x0]  }
0x13: {  	v1 =	vld [tilespmem:s15+$0x80]  }
0x14: {  	s31 =	sand.u32 $0xFFFFFC00, s13  }
0x15: {  	s31 =	sadd.s32 s31, s14;
	v2 =	vld [tilespmem:s15+$0x100]  }
0x16: {  	s16 =	sor.u32 $0x180, s31  }
0x17: {  	v3 =	vld [tilespmem:s16+$0x0]  }
0x18: {  	v4 =	vmul.f32 v0, v0;
	v1 =	vmul.f32 v1, v1  }
0x19: {  	v5 =	vld [tilespmem:s15+$0x200]  }
0x1a: {  	v2 =	vmul.f32 v2, v2;
	v1 =	vadd.f32 v1, v4  }
0x1b: {  	v47 =	vld [tilespmem:s15+$0x280]  }
0x1c: {  	v48 =	vmul.f32 v3, v3;
	v1 =	vadd.f32 v2, v1  }
0x1d: {  	s0 =	sor.u32 s14, s13;
	v49 =	vld [tilespmem:s15+$0x300]  }
0x1e: {  	s17 =	sor.u32 $0x380, s0;
	v50 =	vmul.f32 v5, v5;
	v1 =	vadd.f32 v48, v1  }
0x1f: {  	v51 =	vld [tilespmem:s17+$0x0]  }
0x20: {  	v52 =	vmul.f32 v47, v47;
	v1 =	vadd.f32 v50, v1  }
0x21: {  	v53 =	vld [tilespmem:s15+$0x1000]  }
0x22: {  	v54 =	vmul.f32 v49, v49;
	v1 =	vadd.f32 v52, v1  }
0x23: {  	v55 =	vld [tilespmem:s15+$0x1080]  }
0x24: {  	v56 =	vmul.f32 v51, v51;
	v1 =	vadd.f32 v54, v1  }
0x25: {  	v57 =	vld [tilespmem:s15+$0x1100]  }
0x26: {  	s18 =	sor.u32 $0x1180, s31;
	v58 =	vmul.f32 v53, v53;
	v1 =	vadd.f32 v56, v1  }
0x27: {  	v59 =	vld [tilespmem:s18+$0x0]  }
0x28: {  	v60 =	vmul.f32 v55, v55;
	v1 =	vadd.f32 v58, v1  }
0x29: {  	v61 =	vld [tilespmem:s15+$0x1200]  }
0x2a: {  	v62 =	vmul.f32 v57, v57;
	v1 =	vadd.f32 v60, v1  }
0x2b: {  	v63 =	vld [tilespmem:s15+$0x1280]  }
0x2c: {  	v8 =	vmul.f32 v59, v59;
	v1 =	vadd.f32 v62, v1  }
0x2d: {  	v9 =	vld [tilespmem:s15+$0x1300]  }
0x2e: {  	s19 =	sor.u32 $0x1380, s0;
	v10 =	vmul.f32 v61, v61;
	v1 =	vadd.f32 v8, v1  }
0x2f: {  	v11 =	vld [tilespmem:s19+$0x0]  }
0x30: {  	v12 =	vmul.f32 v63, v63;
	v1 =	vadd.f32 v10, v1  }
0x31: {  	v13 =	vld [tilespmem:s15+$0x2000]  }
0x32: {  	v14 =	vmul.f32 v9, v9;
	v1 =	vadd.f32 v12, v1  }
0x33: {  	v15 =	vld [tilespmem:s15+$0x2080]  }
0x34: {  	v16 =	vmul.f32 v11, v11;
	v1 =	vadd.f32 v14, v1  }
0x35: {  	v17 =	vld [tilespmem:s15+$0x2100]  }
0x36: {  	s20 =	sor.u32 $0x2180, s31;
	v18 =	vmul.f32 v13, v13;
	v1 =	vadd.f32 v16, v1  }
0x37: {  	v19 =	vld [tilespmem:s20+$0x0]  }
0x38: {  	v20 =	vmul.f32 v15, v15;
	v1 =	vadd.f32 v18, v1  }
0x39: {  	v21 =	vld [tilespmem:s15+$0x2200]  }
0x3a: {  	v22 =	vmul.f32 v17, v17;
	v1 =	vadd.f32 v20, v1  }
0x3b: {  	v23 =	vld [tilespmem:s15+$0x2280]  }
0x3c: {  	v24 =	vmul.f32 v19, v19;
	v1 =	vadd.f32 v22, v1  }
0x3d: {  	v25 =	vld [tilespmem:s15+$0x2300]  }
0x3e: {  	s21 =	sor.u32 $0x2380, s0;
	v26 =	vmul.f32 v21, v21;
	v1 =	vadd.f32 v24, v1  }
0x3f: {  	v27 =	vld [tilespmem:s21+$0x0]  }
0x40: {  	v28 =	vmul.f32 v23, v23;
	v1 =	vadd.f32 v26, v1  }
0x41: {  	v29 =	vld [tilespmem:s15+$0x3000]  }
0x42: {  	v30 =	vmul.f32 v25, v25;
	v1 =	vadd.f32 v28, v1  }
0x43: {  	v31 =	vld [tilespmem:s15+$0x3080]  }
0x44: {  	v32 =	vmul.f32 v27, v27;
	v1 =	vadd.f32 v30, v1  }
0x45: {  	v33 =	vld [tilespmem:s15+$0x3100]  }
0x46: {  	s22 =	sor.u32 $0x3180, s31;
	v34 =	vmul.f32 v29, v29;
	v1 =	vadd.f32 v32, v1  }
0x47: {  	v35 =	vld [tilespmem:s22+$0x0]  }
0x48: {  	v36 =	vmul.f32 v31, v31;
	v1 =	vadd.f32 v34, v1  }
0x49: {  	v37 =	vld [tilespmem:s15+$0x3200]  }
0x4a: {  	v38 =	vmul.f32 v33, v33;
	v1 =	vadd.f32 v36, v1  }
0x4b: {  	v39 =	vld [tilespmem:s15+$0x3280]  }
0x4c: {  	v40 =	vmul.f32 v35, v35;
	v1 =	vadd.f32 v38, v1  }
0x4d: {  	v41 =	vld [tilespmem:s15+$0x3300]  }
0x4e: {  	s23 =	sor.u32 $0x3380, s0;
	v42 =	vmul.f32 v37, v37;
	v1 =	vadd.f32 v40, v1  }
0x4f: {  	v43 =	vld [tilespmem:s23+$0x0]  }
0x50: {  	v44 =	vmul.f32 v39, v39;
	v1 =	vadd.f32 v42, v1  }
0x51: {  	v45 =	vld [tilespmem:s15+$0x4000]  }
0x52: {  	v46 =	vmul.f32 v41, v41;
	v1 =	vadd.f32 v44, v1  }
0x53: {  	v47 =	vld [tilespmem:s15+$0x4080]  }
0x54: {  	v48 =	vmul.f32 v43, v43;
	v1 =	vadd.f32 v46, v1  }
0x55: {  	v49 =	vld [tilespmem:s15+$0x4100]  }
0x56: {  	s24 =	sor.u32 $0x4180, s31;
	v50 =	vmul.f32 v45, v45;
	v1 =	vadd.f32 v48, v1  }
0x57: {  	v51 =	vld [tilespmem:s24+$0x0]  }
0x58: {  	v52 =	vmul.f32 v47, v47;
	v1 =	vadd.f32 v50, v1  }
0x59: {  	v53 =	vld [tilespmem:s15+$0x4200]  }
0x5a: {  	v54 =	vmul.f32 v49, v49;
	v1 =	vadd.f32 v52, v1  }
0x5b: {  	v55 =	vld [tilespmem:s15+$0x4280]  }
0x5c: {  	v56 =	vmul.f32 v51, v51;
	v1 =	vadd.f32 v54, v1  }
0x5d: {  	v57 =	vld [tilespmem:s15+$0x4300]  }
0x5e: {  	s25 =	sor.u32 $0x4380, s0;
	v58 =	vmul.f32 v53, v53;
	v1 =	vadd.f32 v56, v1  }
0x5f: {  	v59 =	vld [tilespmem:s25+$0x0]  }
0x60: {  	v60 =	vmul.f32 v55, v55;
	v1 =	vadd.f32 v58, v1  }
0x61: {  	v61 =	vld [tilespmem:s15+$0x5000]  }
0x62: {  	v62 =	vmul.f32 v57, v57;
	v1 =	vadd.f32 v60, v1  }
0x63: {  	v63 =	vld [tilespmem:s15+$0x5080]  }
0x64: {  	v8 =	vmul.f32 v59, v59;
	v1 =	vadd.f32 v62, v1  }
0x65: {  	v9 =	vld [tilespmem:s15+$0x5100]  }
0x66: {  	s26 =	sor.u32 $0x5180, s31;
	v10 =	vmul.f32 v61, v61;
	v1 =	vadd.f32 v8, v1  }
0x67: {  	v11 =	vld [tilespmem:s26+$0x0]  }
0x68: {  	v12 =	vmul.f32 v63, v63;
	v1 =	vadd.f32 v10, v1  }
0x69: {  	v13 =	vld [tilespmem:s15+$0x5200]  }
0x6a: {  	v14 =	vmul.f32 v9, v9;
	v1 =	vadd.f32 v12, v1  }
0x6b: {  	v15 =	vld [tilespmem:s15+$0x5280]  }
0x6c: {  	v16 =	vmul.f32 v11, v11;
	v1 =	vadd.f32 v14, v1  }
0x6d: {  	v17 =	vld [tilespmem:s15+$0x5300]  }
0x6e: {  	s28 =	sor.u32 $0x5380, s0;
	v18 =	vmul.f32 v13, v13;
	v1 =	vadd.f32 v16, v1  }
0x6f: {  	v19 =	vld [tilespmem:s28+$0x0]  }
0x70: {  	v20 =	vmul.f32 v15, v15;
	v1 =	vadd.f32 v18, v1  }
0x71: {  	v21 =	vld [tilespmem:s15+$0x6000]  }
0x72: {  	v22 =	vmul.f32 v17, v17;
	v1 =	vadd.f32 v20, v1  }
0x73: {  	v23 =	vld [tilespmem:s15+$0x6080]  }
0x74: {  	v24 =	vmul.f32 v19, v19;
	v1 =	vadd.f32 v22, v1  }
0x75: {  	v25 =	vld [tilespmem:s15+$0x6100]  }
0x76: {  	s29 =	sor.u32 $0x6180, s31;
	v26 =	vmul.f32 v21, v21;
	v1 =	vadd.f32 v24, v1  }
0x77: {  	v27 =	vld [tilespmem:s29+$0x0]  }
0x78: {  	v28 =	vmul.f32 v23, v23;
	v1 =	vadd.f32 v26, v1  }
0x79: {  	v29 =	vld [tilespmem:s15+$0x6200]  }
0x7a: {  	v30 =	vmul.f32 v25, v25;
	v1 =	vadd.f32 v28, v1  }
0x7b: {  	v31 =	vld [tilespmem:s15+$0x6280]  }
0x7c: {  	v32 =	vmul.f32 v27, v27;
	v1 =	vadd.f32 v30, v1  }
0x7d: {  	v33 =	vld [tilespmem:s15+$0x6300]  }
0x7e: {  	s30 =	sor.u32 $0x6380, s0;
	v34 =	vmul.f32 v29, v29;
	v1 =	vadd.f32 v32, v1  }
0x7f: {  	v35 =	vld [tilespmem:s30+$0x0]  }
0x80: {  	v36 =	vmul.f32 v31, v31;
	v1 =	vadd.f32 v34, v1  }
0x81: {  	v37 =	vld [tilespmem:s15+$0x7000]  }
0x82: {  	v38 =	vmul.f32 v33, v33;
	v1 =	vadd.f32 v36, v1  }
0x83: {  	v39 =	vld [tilespmem:s15+$0x7080]  }
0x84: {  	v40 =	vmul.f32 v35, v35;
	v1 =	vadd.f32 v38, v1  }
0x85: {  	v41 =	vld [tilespmem:s15+$0x7100]  }
0x86: {  	s31 =	sor.u32 $0x7180, s31;
	v42 =	vmul.f32 v37, v37;
	v1 =	vadd.f32 v40, v1  }
0x87: {  	v43 =	vld [tilespmem:s31+$0x0]  }
0x88: {  	v44 =	vmul.f32 v39, v39;
	v1 =	vadd.f32 v42, v1  }
0x89: {  	v45 =	vld [tilespmem:s15+$0x7200]  }
0x8a: {  	v46 =	vmul.f32 v41, v41;
	v1 =	vadd.f32 v44, v1  }
0x8b: {  	v47 =	vld [tilespmem:s15+$0x7280]  }
0x8c: {  	v48 =	vmul.f32 v43, v43;
	v1 =	vadd.f32 v46, v1  }
0x8d: {  	v49 =	vld [tilespmem:s15+$0x7300]  }
0x8e: {  	s0 =	sor.u32 $0x7380, s0;
	v50 =	vmul.f32 v45, v45;
	v1 =	vadd.f32 v48, v1  }
0x8f: {  	v51 =	vld [tilespmem:s0+$0x0]  }
0x90: {  	v52 =	vmul.f32 v47, v47;
	v1 =	vadd.f32 v50, v1;
	_ =	sdelay $0x1  }
0x91: {  	v53 =	vmul.f32 v49, v49;
	v1 =	vadd.f32 v52, v1;
	_ =	sdelay $0x1  }
0x92: {  	v54 =	vmul.f32 v51, v51;
	v1 =	vadd.f32 v53, v1;
	_ =	sdelay $0x1  }
0x93: {  	v1 =	vadd.f32 v54, v1;
	_ =	sdelay $0x1  }
0x94: {  	v1 =	vmul.f32 $9.999999770e-03, v1;
	_ =	sdelay $0x1  }
0x95: {  	v1 =	vmax.f32 v1, $9.999999820e-15  }
0x96: {  	v55 =	vadd.f32 $1.000000000e+00, v1;
	_ =	sdelay $0x1  }
0x97: {  	v2 =	vmul.f32 $5.000000000e-01, v55;
	_ =	sdelay $0x1  }
0x98: {  	(erf) = vrcp.f32 v2;
	_ =	sdelay $0x8  }
0x99: {  	v56 =	vpop (erf)  }
0x9a: {  	v3 =	vmul.f32 v56, v1;
	_ =	sdelay $0x1  }
0x9b: {  	v2 =	vadd.f32 v3, v2;
	_ =	sdelay $0x1  }
0x9c: {  	v2 =	vmul.f32 $5.000000000e-01, v2;
	_ =	sdelay $0x1  }
0x9d: {  	(erf) = vrcp.f32 v2;
	_ =	sdelay $0x8  }
0x9e: {  	v57 =	vpop (erf)  }
0x9f: {  	v3 =	vmul.f32 v57, v1;
	_ =	sdelay $0x1  }
0xa0: {  	v2 =	vadd.f32 v3, v2;
	_ =	sdelay $0x1  }
0xa1: {  	v2 =	vmul.f32 $5.000000000e-01, v2;
	_ =	sdelay $0x1  }
0xa2: {  	(erf) = vrcp.f32 v2;
	_ =	sdelay $0x8  }
0xa3: {  	v58 =	vpop (erf)  }
0xa4: {  	v3 =	vmul.f32 v58, v1;
	_ =	sdelay $0x1  }
0xa5: {  	v2 =	vadd.f32 v3, v2;
	_ =	sdelay $0x1  }
0xa6: {  	v2 =	vmul.f32 $5.000000000e-01, v2;
	_ =	sdelay $0x1  }
0xa7: {  	(erf) = vrcp.f32 v2;
	_ =	sdelay $0x8  }
0xa8: {  	v59 =	vpop (erf)  }
0xa9: {  	v3 =	vmul.f32 v59, v1;
	_ =	sdelay $0x1  }
0xaa: {  	v2 =	vadd.f32 v3, v2;
	_ =	sdelay $0x1  }
0xab: {  	v2 =	vmul.f32 $5.000000000e-01, v2;
	_ =	sdelay $0x1  }
0xac: {  	(erf) = vrcp.f32 v2;
	_ =	sdelay $0x8  }
0xad: {  	v60 =	vpop (erf)  }
0xae: {  	v3 =	vmul.f32 v60, v1;
	_ =	sdelay $0x1  }
0xaf: {  	v2 =	vadd.f32 v3, v2;
	_ =	sdelay $0x1  }
0xb0: {  	v2 =	vmul.f32 $5.000000000e-01, v2;
	_ =	sdelay $0x1  }
0xb1: {  	(erf) = vrcp.f32 v2;
	_ =	sdelay $0x8  }
0xb2: {  	v61 =	vpop (erf)  }
0xb3: {  	v3 =	vmul.f32 v61, v1;
	_ =	sdelay $0x1  }
0xb4: {  	v2 =	vadd.f32 v3, v2;
	_ =	sdelay $0x1  }
0xb5: {  	v2 =	vmul.f32 $5.000000000e-01, v2;
	_ =	sdelay $0x1  }
0xb6: {  	(erf) = vrcp.f32 v2;
	_ =	sdelay $0x8  }
0xb7: {  	v62 =	vpop (erf)  }
0xb8: {  	v3 =	vmul.f32 v62, v1;
	_ =	sdelay $0x1  }
0xb9: {  	v2 =	vadd.f32 v3, v2;
	_ =	sdelay $0x1  }
0xba: {  	v2 =	vmul.f32 $5.000000000e-01, v2;
	_ =	sdelay $0x1  }
0xbb: {  	(erf) = vrcp.f32 v2;
	_ =	sdelay $0x8  }
0xbc: {  	v63 =	vpop (erf)  }
0xbd: {  	v3 =	vmul.f32 v63, v1;
	_ =	sdelay $0x1  }
0xbe: {  	v2 =	vadd.f32 v3, v2;
	_ =	sdelay $0x1  }
0xbf: {  	v2 =	vmul.f32 $5.000000000e-01, v2;
	_ =	sdelay $0x1  }
0xc0: {  	(erf) = vrcp.f32 v2;
	_ =	sdelay $0x8  }
0xc1: {  	v6 =	vpop (erf)  }
0xc2: {  	v3 =	vmul.f32 v6, v1;
	_ =	sdelay $0x1  }
0xc3: {  	v2 =	vadd.f32 v3, v2;
	_ =	sdelay $0x1  }
0xc4: {  	v2 =	vmul.f32 $5.000000000e-01, v2;
	_ =	sdelay $0x1  }
0xc5: {  	(erf) = vrcp.f32 v2;
	_ =	sdelay $0x8  }
0xc6: {  	v7 =	vpop (erf)  }
0xc7: {  	v3 =	vmul.f32 v7, v1;
	_ =	sdelay $0x1  }
0xc8: {  	v2 =	vadd.f32 v3, v2;
	_ =	sdelay $0x1  }
0xc9: {  	v2 =	vmul.f32 $5.000000000e-01, v2;
	_ =	sdelay $0x1  }
0xca: {  	(erf) = vrcp.f32 v2;
	_ =	sdelay $0x8  }
0xcb: {  	v8 =	vpop (erf)  }
0xcc: {  	v3 =	vmul.f32 v8, v1;
	_ =	sdelay $0x1  }
0xcd: {  	v2 =	vadd.f32 v3, v2;
	_ =	sdelay $0x1  }
0xce: {  	v2 =	vmul.f32 $5.000000000e-01, v2;
	_ =	sdelay $0x1  }
0xcf: {  	v9 =	vmul.f32 $-2.000000000e+00, v2;
	_ =	sdelay $0x1  }
0xd0: {  	v3 =	vmul.f32 $1.442695020e+00, v9;
	_ =	sdelay $0x1  }
0xd1: {  	(erf) = vpow2.f32 v3;
	_ =	sdelay $0x8  }
0xd2: {  	v3 =	vpop (erf)  }
0xd3: {  	v10 =	vadd.f32 $1.000000000e+00, v3;
	_ =	sdelay $0x1  }
0xd4: {  	(erf) = vrcp.f32 v10;
	_ =	sdelay $0x3  }
0xd5: {  	(erf) = vrcp.f32 v2;
	_ =	sdelay $0x3  }
0xd6: {  	v12 =	vmul.f32 $-3.333333430e-01, v1;
	v13 =	vmul.f32 v1, v1;
	v11 =	vsub.f32 $1.000000000e+00, v3  }
0xd7: {  	v14 =	vpop (erf)  }
0xd8: {  	v4 =	vmul.f32 $1.333333400e-01, v13;
	v3 =	vadd.f32 $1.000000000e+00, v12;
	v2 =	vmul.f32 v14, v11;
	_ =	sdelay $0x1  }
0xd9: {  	v3 =	vadd.f32 v4, v3;
	v2 =	vmul.f32 $1.000000010e-01, v2  }
0xda: {  	v16 =	vld [tilespmem:s15+$0x80];
	v15 =	vpop (erf)  }
0xdb: {  	v17 =	vld [tilespmem:s15+$0x100];
	v3 =	vmul.f32 $1.000000010e-01, v3;
	v2 =	vmul.f32 v2, v15  }
0xdc: {  	vm0 =	vlt.f32 v1, $2.499999940e-03  }
0xdd: {  	v1 =	vsel vm0, v3, v2  }
0xde: {  	v0 =	vmul.f32 v1, v0  }
0xdf: {  	v2 =	vmul.f32 v1, v16  }
0xe0: {  	v18 =	vmul.f32 v1, v17;
	[tilespmem:s15+$0x8000] =	vst v0  }
0xe1: {  	[tilespmem:s15+$0x8080] =	vst v2  }
0xe2: {  	[tilespmem:s15+$0x8100] =	vst v18  }
0xe3: {  	v0 =	vld [tilespmem:s16+$0x0];
	_ =	sdelay $0x4  }
0xe4: {  	v0 =	vmul.f32 v1, v0;
	_ =	sdelay $0x1  }
0xe5: {  	[tilespmem:s16+$0x8000] =	vst v0  }
0xe6: {  	v0 =	vld [tilespmem:s15+$0x200]  }
0xe7: {  	v19 =	vld [tilespmem:s15+$0x280]  }
0xe8: {  	v20 =	vld [tilespmem:s15+$0x300];
	_ =	sdelay $0x2  }
0xe9: {  	v0 =	vmul.f32 v1, v0  }
0xea: {  	v2 =	vmul.f32 v1, v19  }
0xeb: {  	v21 =	vmul.f32 v1, v20;
	[tilespmem:s15+$0x8200] =	vst v0  }
0xec: {  	[tilespmem:s15+$0x8280] =	vst v2  }
0xed: {  	[tilespmem:s15+$0x8300] =	vst v21  }
0xee: {  	v0 =	vld [tilespmem:s17+$0x0];
	_ =	sdelay $0x4  }
0xef: {  	v0 =	vmul.f32 v1, v0;
	_ =	sdelay $0x1  }
0xf0: {  	[tilespmem:s17+$0x8000] =	vst v0  }
0xf1: {  	v0 =	vld [tilespmem:s15+$0x1000]  }
0xf2: {  	v22 =	vld [tilespmem:s15+$0x1080]  }
0xf3: {  	v23 =	vld [tilespmem:s15+$0x1100];
	_ =	sdelay $0x2  }
0xf4: {  	v0 =	vmul.f32 v1, v0  }
0xf5: {  	v2 =	vmul.f32 v1, v22  }
0xf6: {  	v24 =	vmul.f32 v1, v23;
	[tilespmem:s15+$0x9000] =	vst v0  }
0xf7: {  	[tilespmem:s15+$0x9080] =	vst v2  }
0xf8: {  	[tilespmem:s15+$0x9100] =	vst v24  }
0xf9: {  	v0 =	vld [tilespmem:s18+$0x0];
	_ =	sdelay $0x4  }
0xfa: {  	v0 =	vmul.f32 v1, v0;
	_ =	sdelay $0x1  }
0xfb: {  	[tilespmem:s18+$0x8000] =	vst v0  }
0xfc: {  	v0 =	vld [tilespmem:s15+$0x1200]  }
0xfd: {  	v25 =	vld [tilespmem:s15+$0x1280]  }
0xfe: {  	v26 =	vld [tilespmem:s15+$0x1300];
	_ =	sdelay $0x2  }
0xff: {  	v0 =	vmul.f32 v1, v0  }
0x100: {  	v2 =	vmul.f32 v1, v25  }
0x101: {  	v27 =	vmul.f32 v1, v26;
	[tilespmem:s15+$0x9200] =	vst v0  }
0x102: {  	[tilespmem:s15+$0x9280] =	vst v2  }
0x103: {  	[tilespmem:s15+$0x9300] =	vst v27  }
0x104: {  	v0 =	vld [tilespmem:s19+$0x0];
	_ =	sdelay $0x4  }
0x105: {  	v0 =	vmul.f32 v1, v0;
	_ =	sdelay $0x1  }
0x106: {  	[tilespmem:s19+$0x8000] =	vst v0  }
0x107: {  	v0 =	vld [tilespmem:s15+$0x2000]  }
0x108: {  	v28 =	vld [tilespmem:s15+$0x2080]  }
0x109: {  	v29 =	vld [tilespmem:s15+$0x2100];
	_ =	sdelay $0x2  }
0x10a: {  	v0 =	vmul.f32 v1, v0  }
0x10b: {  	v2 =	vmul.f32 v1, v28  }
0x10c: {  	v30 =	vmul.f32 v1, v29;
	[tilespmem:s15+$0xA000] =	vst v0  }
0x10d: {  	[tilespmem:s15+$0xA080] =	vst v2  }
0x10e: {  	[tilespmem:s15+$0xA100] =	vst v30  }
0x10f: {  	v0 =	vld [tilespmem:s20+$0x0];
	_ =	sdelay $0x4  }
0x110: {  	v0 =	vmul.f32 v1, v0;
	_ =	sdelay $0x1  }
0x111: {  	[tilespmem:s20+$0x8000] =	vst v0  }
0x112: {  	v0 =	vld [tilespmem:s15+$0x2200]  }
0x113: {  	v31 =	vld [tilespmem:s15+$0x2280]  }
0x114: {  	v32 =	vld [tilespmem:s15+$0x2300];
	_ =	sdelay $0x2  }
0x115: {  	v0 =	vmul.f32 v1, v0  }
0x116: {  	v2 =	vmul.f32 v1, v31  }
0x117: {  	v33 =	vmul.f32 v1, v32;
	[tilespmem:s15+$0xA200] =	vst v0  }
0x118: {  	[tilespmem:s15+$0xA280] =	vst v2  }
0x119: {  	[tilespmem:s15+$0xA300] =	vst v33  }
0x11a: {  	v0 =	vld [tilespmem:s21+$0x0];
	_ =	sdelay $0x4  }
0x11b: {  	v0 =	vmul.f32 v1, v0;
	_ =	sdelay $0x1  }
0x11c: {  	[tilespmem:s21+$0x8000] =	vst v0  }
0x11d: {  	v0 =	vld [tilespmem:s15+$0x3000]  }
0x11e: {  	v34 =	vld [tilespmem:s15+$0x3080]  }
0x11f: {  	v35 =	vld [tilespmem:s15+$0x3100];
	_ =	sdelay $0x2  }
0x120: {  	v0 =	vmul.f32 v1, v0  }
0x121: {  	v2 =	vmul.f32 v1, v34  }
0x122: {  	v36 =	vmul.f32 v1, v35;
	[tilespmem:s15+$0xB000] =	vst v0  }
0x123: {  	[tilespmem:s15+$0xB080] =	vst v2  }
0x124: {  	[tilespmem:s15+$0xB100] =	vst v36  }
0x125: {  	v0 =	vld [tilespmem:s22+$0x0];
	_ =	sdelay $0x4  }
0x126: {  	v0 =	vmul.f32 v1, v0;
	_ =	sdelay $0x1  }
0x127: {  	[tilespmem:s22+$0x8000] =	vst v0  }
0x128: {  	v0 =	vld [tilespmem:s15+$0x3200]  }
0x129: {  	v37 =	vld [tilespmem:s15+$0x3280]  }
0x12a: {  	v38 =	vld [tilespmem:s15+$0x3300];
	_ =	sdelay $0x2  }
0x12b: {  	v0 =	vmul.f32 v1, v0  }
0x12c: {  	v2 =	vmul.f32 v1, v37  }
0x12d: {  	v39 =	vmul.f32 v38, v1;
	[tilespmem:s15+$0xB200] =	vst v0  }
0x12e: {  	[tilespmem:s15+$0xB280] =	vst v2  }
0x12f: {  	[tilespmem:s15+$0xB300] =	vst v39  }
0x130: {  	v0 =	vld [tilespmem:s23+$0x0];
	_ =	sdelay $0x4  }
0x131: {  	v0 =	vmul.f32 v0, v1;
	_ =	sdelay $0x1  }
0x132: {  	[tilespmem:s23+$0x8000] =	vst v0  }
0x133: {  	v0 =	vld [tilespmem:s15+$0x4000]  }
0x134: {  	v40 =	vld [tilespmem:s15+$0x4080]  }
0x135: {  	v41 =	vld [tilespmem:s15+$0x4100];
	_ =	sdelay $0x2  }
0x136: {  	v0 =	vmul.f32 v0, v1  }
0x137: {  	v2 =	vmul.f32 v40, v1  }
0x138: {  	v42 =	vmul.f32 v41, v1;
	[tilespmem:s15+$0xC000] =	vst v0  }
0x139: {  	[tilespmem:s15+$0xC080] =	vst v2  }
0x13a: {  	[tilespmem:s15+$0xC100] =	vst v42  }
0x13b: {  	v0 =	vld [tilespmem:s24+$0x0];
	_ =	sdelay $0x4  }
0x13c: {  	v0 =	vmul.f32 v0, v1;
	_ =	sdelay $0x1  }
0x13d: {  	[tilespmem:s24+$0x8000] =	vst v0  }
0x13e: {  	v0 =	vld [tilespmem:s15+$0x4200]  }
0x13f: {  	v43 =	vld [tilespmem:s15+$0x4280]  }
0x140: {  	v44 =	vld [tilespmem:s15+$0x4300];
	_ =	sdelay $0x2  }
0x141: {  	v0 =	vmul.f32 v0, v1  }
0x142: {  	v2 =	vmul.f32 v43, v1  }
0x143: {  	v45 =	vmul.f32 v44, v1;
	[tilespmem:s15+$0xC200] =	vst v0  }
0x144: {  	[tilespmem:s15+$0xC280] =	vst v2  }
0x145: {  	[tilespmem:s15+$0xC300] =	vst v45  }
0x146: {  	v0 =	vld [tilespmem:s25+$0x0];
	_ =	sdelay $0x4  }
0x147: {  	v0 =	vmul.f32 v0, v1;
	_ =	sdelay $0x1  }
0x148: {  	[tilespmem:s25+$0x8000] =	vst v0  }
0x149: {  	v0 =	vld [tilespmem:s15+$0x5000]  }
0x14a: {  	v46 =	vld [tilespmem:s15+$0x5080]  }
0x14b: {  	v47 =	vld [tilespmem:s15+$0x5100];
	_ =	sdelay $0x2  }
0x14c: {  	v0 =	vmul.f32 v0, v1  }
0x14d: {  	v2 =	vmul.f32 v46, v1  }
0x14e: {  	v48 =	vmul.f32 v47, v1;
	[tilespmem:s15+$0xD000] =	vst v0  }
0x14f: {  	[tilespmem:s15+$0xD080] =	vst v2  }
0x150: {  	[tilespmem:s15+$0xD100] =	vst v48  }
0x151: {  	v0 =	vld [tilespmem:s26+$0x0];
	_ =	sdelay $0x4  }
0x152: {  	v0 =	vmul.f32 v0, v1;
	_ =	sdelay $0x1  }
0x153: {  	[tilespmem:s26+$0x8000] =	vst v0  }
0x154: {  	v0 =	vld [tilespmem:s15+$0x5200]  }
0x155: {  	v49 =	vld [tilespmem:s15+$0x5280]  }
0x156: {  	v50 =	vld [tilespmem:s15+$0x5300];
	_ =	sdelay $0x2  }
0x157: {  	v0 =	vmul.f32 v0, v1  }
0x158: {  	v2 =	vmul.f32 v49, v1  }
0x159: {  	v51 =	vmul.f32 v50, v1;
	[tilespmem:s15+$0xD200] =	vst v0  }
0x15a: {  	[tilespmem:s15+$0xD280] =	vst v2  }
0x15b: {  	[tilespmem:s15+$0xD300] =	vst v51  }
0x15c: {  	v0 =	vld [tilespmem:s28+$0x0];
	_ =	sdelay $0x4  }
0x15d: {  	v0 =	vmul.f32 v0, v1;
	_ =	sdelay $0x1  }
0x15e: {  	[tilespmem:s28+$0x8000] =	vst v0  }
0x15f: {  	v0 =	vld [tilespmem:s15+$0x6000]  }
0x160: {  	v52 =	vld [tilespmem:s15+$0x6080]  }
0x161: {  	v53 =	vld [tilespmem:s15+$0x6100];
	_ =	sdelay $0x2  }
0x162: {  	v0 =	vmul.f32 v0, v1  }
0x163: {  	v2 =	vmul.f32 v52, v1  }
0x164: {  	v54 =	vmul.f32 v53, v1;
	[tilespmem:s15+$0xE000] =	vst v0  }
0x165: {  	[tilespmem:s15+$0xE080] =	vst v2  }
0x166: {  	[tilespmem:s15+$0xE100] =	vst v54  }
0x167: {  	v0 =	vld [tilespmem:s29+$0x0];
	_ =	sdelay $0x4  }
0x168: {  	v0 =	vmul.f32 v0, v1;
	_ =	sdelay $0x1  }
0x169: {  	[tilespmem:s29+$0x8000] =	vst v0  }
0x16a: {  	v0 =	vld [tilespmem:s15+$0x6200]  }
0x16b: {  	v55 =	vld [tilespmem:s15+$0x6280]  }
0x16c: {  	v56 =	vld [tilespmem:s15+$0x6300];
	_ =	sdelay $0x2  }
0x16d: {  	v0 =	vmul.f32 v0, v1  }
0x16e: {  	v2 =	vmul.f32 v55, v1  }
0x16f: {  	v57 =	vmul.f32 v56, v1;
	[tilespmem:s15+$0xE200] =	vst v0  }
0x170: {  	[tilespmem:s15+$0xE280] =	vst v2  }
0x171: {  	[tilespmem:s15+$0xE300] =	vst v57  }
0x172: {  	v0 =	vld [tilespmem:s30+$0x0];
	_ =	sdelay $0x4  }
0x173: {  	v0 =	vmul.f32 v0, v1;
	_ =	sdelay $0x1  }
0x174: {  	[tilespmem:s30+$0x8000] =	vst v0  }
0x175: {  	v0 =	vld [tilespmem:s15+$0x7000]  }
0x176: {  	v58 =	vld [tilespmem:s15+$0x7080]  }
0x177: {  	v59 =	vld [tilespmem:s15+$0x7100];
	_ =	sdelay $0x2  }
0x178: {  	v0 =	vmul.f32 v0, v1  }
0x179: {  	v2 =	vmul.f32 v58, v1  }
0x17a: {  	v60 =	vmul.f32 v59, v1;
	[tilespmem:s15+$0xF000] =	vst v0  }
0x17b: {  	[tilespmem:s15+$0xF080] =	vst v2  }
0x17c: {  	[tilespmem:s15+$0xF100] =	vst v60  }
0x17d: {  	v0 =	vld [tilespmem:s31+$0x0];
	_ =	sdelay $0x4  }
0x17e: {  	v0 =	vmul.f32 v0, v1;
	_ =	sdelay $0x1  }
0x17f: {  	[tilespmem:s31+$0x8000] =	vst v0  }
0x180: {  	v0 =	vld [tilespmem:s15+$0x7200]  }
0x181: {  	v61 =	vld [tilespmem:s15+$0x7280]  }
0x182: {  	v62 =	vld [tilespmem:s15+$0x7300];
	_ =	sdelay $0x2  }
0x183: {  	v0 =	vmul.f32 v0, v1  }
0x184: {  	v2 =	vmul.f32 v61, v1  }
0x185: {  	v63 =	vmul.f32 v62, v1;
	[tilespmem:s15+$0xF200] =	vst v0  }
0x186: {  	[tilespmem:s15+$0xF280] =	vst v2  }
0x187: {  	[tilespmem:s15+$0xF300] =	vst v63  }
0x188: {  	v0 =	vld [tilespmem:s0+$0x0];
	_ =	sdelay $0x1  }
0x189: {  	p0 =	sne.s32 s14, $0x1F0  }
.Ltmp0:
0x18a: {  	_ = 	snop;
	(pc) =	sbr.rel @p0 .LBB2_3-.Ltmp0, $3  }
0x18b: {  	_ = 	snop  }
0x18c: {  	v0 =	vmul.f32 v0, v1;
	_ =	sdelay $0x1  }
0x18d: {  	s13 =	sadd.s32 $0x80, s13;
	s14 =	sadd.s32 $0x10, s14;
	[tilespmem:s0+$0x8000] =	vst v0  }
0x18e: {  	s11 =	sadd.s32 $0x1, s11  }
0x18f: {  	p0 =	sne.s32 s11, $0x32  }
.Ltmp1:
0x190: {  	s0 =	sadd.s32 s2, s12;
	(pc) =	sbr.rel @p0 .LBB2_2-.Ltmp1, $4  }
0x191: {  	[hbm4b:s0+s7] =	stream.strided.scatter [tilespmem:s10], [sflag:$0x1], $0x8000, s8, s7, $0x38;
	[tilespmem:$0x10000] =	vst v63  }
0x192: {  	_ =	swait.ge [sflag:s9], $0x8000  }
0x193: {  	[sflag:s9] =	ssyncset.done $0x0  }
0x194: {  	[sflag:s9] =	ssyncadd.s32 $0xFFFF8000  }
0x195: {  	s3 =	sadd.s32 $0x1, s3  }
0x196: {  	p0 =	sne.s32 s3, s6  }
.Ltmp2:
0x197: {  	_ = 	snop;
	(pc) =	sbr.rel @p0 .LBB2_1-.Ltmp2, $1  }
0x198: {  	_ =	sdelay $0x3  }
0x199: {  	_ =	sfence.sel $0x180000  }
0x19a: {  	[bflag:$0x0] =	sbarrier.arrive $0xFFFF  }
0x19b: {  	_ =	strace $0x90000047  }
0x19c: {  	[bflag:$0x2] =	sbarrier.arrive $0xFFFF  }
0x19d: {  	p0 =	sne.s32 s4, $0x0;
	s0 =	rddreg [dreg:$0x2]  }
0x19e: {  	s0 =	sadd.s32 @!p0 $0x100000, s0  }
0x19f: {  	[sflag:s0] =	ssyncadd.tile.s32 @!p0 $0x1;
	_ =	shalt  }
.Lfunc_end2:
_tile_overlayer_lowered:
.L_overlay_start_2:
0x1a0: {  	(tag) =	ssettag $0x2  }
0x1a1: {  	s0 =	rddreg [dreg:$0x0];
	s2 =	stileid.u32  }
0x1a2: {  	s1 =	rddreg [dreg:$0x1];
	p0 =	sne.s32 s2, $0x0  }
0x1a3: {  	s3 =	rddreg [dreg:$0x2];
	[bflag:$0x3] =	sbarrier.arrive $0xFFFF;
	s2 =	simm.s32 @!p0 $0x1C01  }
0x1a4: {  	[timem:s3], [sflag:s2] =	dma.local @!p0 [hbm:s0], s1  }
0x1a5: {  	s0 =	simm.s32 @!p0 $0x1  }
0x1a6: {  	_ =	swait.ge @!p0 [sflag:s0], s1  }
0x1a7: {  	s1 =	ssub.s32 @!p0 $0x0, s1;
	[sflag:s0] =	ssyncset.done @!p0 $0x0  }
0x1a8: {  	[sflag:s0] =	ssyncadd.s32 @!p0 s1  }
0x1a9: {  	[bflag:$0x3] =	sbarrier.arrive $0xFFFF  }
0x1aa: {  	_ =	shalt  }

</sc_bundles>
